<compile_context>
chip_gen: v7x
topology: tpu7x:2x2x1
jax: 0.10.2.dev20260603
libtpu: 0.0.44.dev20260713+nightly
codegen_flags: <defaults>
</compile_context>

<pallas_src>
import functools

import jax
import jax.numpy as jnp
from jax import lax
from jax.experimental import pallas as pl
from jax.experimental.pallas import tpu as pltpu
from jax.experimental.pallas import tpu_sc as plsc

CHUNK = 128
NBUF = 5
LOOK = 3


def _gather_rows(ids3, table):
    nw, n_chunks, _ = ids3.shape
    D = table.shape[1]
    N = nw * n_chunks * CHUNK
    rows_per_w = n_chunks * CHUNK
    info = plsc.get_sparse_core_info()
    nc = info.num_cores
    n_groups = n_chunks // NBUF

    mesh = plsc.VectorSubcoreMesh(core_axis_name="c", subcore_axis_name="s")

    @functools.partial(
        pl.kernel,
        mesh=mesh,
        out_type=jax.ShapeDtypeStruct((N, D), jnp.float32),
        scratch_types=[
            pltpu.VMEM((n_chunks, CHUNK), jnp.int32),
            *[pltpu.VMEM((CHUNK, D), jnp.float32) for _ in range(NBUF)],
            pltpu.SemaphoreType.DMA((NBUF,)),
            pltpu.SemaphoreType.DMA((NBUF,)),
        ],
    )
    def body(ids_hbm, table_hbm, out_hbm, idx_v, *rest):
        rows = rest[:NBUF]
        sem_g = rest[NBUF]
        sem_o = rest[NBUF + 1]
        wid = lax.axis_index("s") * nc + lax.axis_index("c")
        base_w = wid * rows_per_w

        pltpu.sync_copy(ids_hbm.at[wid], idx_v)

        def gather(j, b):
            pltpu.async_copy(table_hbm.at[idx_v.at[j]], rows[b], sem_g.at[b])

        def gather_wait(b):
            pltpu.make_async_copy(
                table_hbm.at[idx_v.at[0]], rows[b], sem_g.at[b]).wait()

        def scatter(j, b):
            pltpu.async_copy(
                rows[b], out_hbm.at[pl.ds(base_w + j * CHUNK, CHUNK)],
                sem_o.at[b])

        def scatter_wait(b):
            pltpu.make_async_copy(
                rows[b], out_hbm.at[pl.ds(base_w, CHUNK)], sem_o.at[b]).wait()

        for b in range(LOOK):
            gather(b, b)

        for b in range(NBUF):
            gather_wait(b)
            scatter(b, b)
            bn = (b + LOOK) % NBUF
            if b + LOOK >= NBUF:
                scatter_wait(bn)
            gather(b + LOOK, bn)

        def grp(g, c):
            for b in range(NBUF):
                j = g * NBUF + b
                gather_wait(b)
                scatter(j, b)
                bn = (b + LOOK) % NBUF
                scatter_wait(bn)
                gather(j + LOOK, bn)
            return c

        lax.fori_loop(1, n_groups - 1, grp, 0)

        for b in range(NBUF):
            j = (n_groups - 1) * NBUF + b
            gather_wait(b)
            scatter(j, b)
            if j + LOOK < n_chunks:
                bn = (b + LOOK) % NBUF
                scatter_wait(bn)
                gather(j + LOOK, bn)

        for b in range(NBUF):
            scatter_wait(b)

    return body(ids3, table)


def kernel(input_ids, table):
    B, T = input_ids.shape
    D = table.shape[1]
    ids = input_ids.reshape(-1).astype(jnp.int32)
    info = plsc.get_sparse_core_info()
    nw = info.num_cores * info.num_subcores
    n_chunks = ids.shape[0] // (nw * CHUNK)
    out = _gather_rows(ids.reshape(nw, n_chunks, CHUNK), table)
    return out.reshape(B, T, D)

# --- scband reference (transcript-rebuilt; emitter-appended) ---
"""Pipeline reference for scband-cxxtoken-embedding-49228915147488 (READ-ONLY COPY).

The authoritative reference and input builder live on the scoring server;
editing this copy changes nothing except your own understanding.
"""

import jax, jax.numpy as jnp
import numpy as np

VOCAB_SIZE = 100000
EMBED_DIM = 128
PADDING_IDX = 0

def setup_inputs(seed: int = 0) -> dict:
    key = jax.random.key(seed)
    k_idx, k_tab = jax.random.split(key)
    input_ids = jax.random.randint(k_idx, (4096, 200), 0, VOCAB_SIZE, dtype=jnp.int64)
    table = jax.random.normal(k_tab, (VOCAB_SIZE, EMBED_DIM), dtype=jnp.float32)
    # padding_idx row initialized to zero, matching nn.Embedding(padding_idx=0)
    table = table.at[PADDING_IDX].set(0.0)
    return {"input_ids": input_ids, "table": table}

def reference(input_ids, table):
    # nn.Embedding forward: gather rows of the weight table by index
    return jnp.take(table, input_ids, axis=0)

if __name__ == "__main__":
    import jax
    _d = setup_inputs()
    print(jax.jit(kernel)(*tuple(_d.values())))

</pallas_src>

<mosaic_0001>
#map = affine_map<(d0, d1) -> (0, 0, 0)>
#map1 = affine_map<(d0, d1) -> (0, 0)>
module attributes {stable_mosaic.version = 14 : i64} {
  func.func @body(%arg0: i32, %arg1: i32, %arg2: memref<32x200x128xi32, #tpu.memory_space<hbm>>, %arg3: memref<100000x128xf32, #tpu.memory_space<hbm>>, %arg4: memref<819200x128xf32, #tpu.memory_space<hbm>>, %arg5: memref<200x128xi32, #tpu.memory_space<vmem>>, %arg6: memref<128x128xf32, #tpu.memory_space<vmem>>, %arg7: memref<128x128xf32, #tpu.memory_space<vmem>>, %arg8: memref<128x128xf32, #tpu.memory_space<vmem>>, %arg9: memref<128x128xf32, #tpu.memory_space<vmem>>, %arg10: memref<128x128xf32, #tpu.memory_space<vmem>>, %arg11: memref<5x!tpu.dma_semaphore, #tpu.memory_space<semaphore_mem>>, %arg12: memref<5x!tpu.dma_semaphore, #tpu.memory_space<semaphore_mem>>) attributes {dimension_semantics = [#tpu.dimension_semantics<core_parallel>, #tpu.dimension_semantics<subcore_parallel>], iteration_bounds = array<i64: 2, 16>, scalar_prefetch = 0 : i64, scratch_operands = 8 : i64, tpu.core_type = #tpu.core_type<sc_vector_subcore>, window_params = [{transform_indices = #map}, {transform_indices = #map1}, {transform_indices = #map1}]} {
    %mul3A = arith.constant 2 : i32
    %mul3A_0 = arith.muli %arg1, %mul3A : i32
    %add3A = arith.addi %mul3A_0, %arg0 : i32
    %mul3A_1 = arith.constant 25600 : i32
    %mul3A_2 = arith.muli %add3A, %mul3A_1 : i32
    "tpu.region"() ({
      %run_scoped3A = tpu.sem_alloc : memref<!tpu.dma_semaphore, #tpu.memory_space<semaphore_mem>>
      %dma_start3A_366 = arith.constant 0 : i32
      %dma_start3A_367 = arith.constant 0 : i32
      %dma_start3A_368 = tpu.memref_slice %arg2[%add3A, %dma_start3A_366, %dma_start3A_367] : memref<32x200x128xi32, #tpu.memory_space<hbm>> -> memref<1x200x128xi32, #tpu.memory_space<hbm>>
      %dma_start3A_369 = tpu.memref_squeeze %dma_start3A_368 : memref<1x200x128xi32, #tpu.memory_space<hbm>> -> memref<200x128xi32, #tpu.memory_space<hbm>>
      %dma_start3A_370 = arith.constant 0 : i32
      %dma_start3A_371 = arith.constant 0 : i32
      %dma_start3A_372 = tpu.memref_slice %arg2[%add3A, %dma_start3A_370, %dma_start3A_371] : memref<32x200x128xi32, #tpu.memory_space<hbm>> -> memref<1x200x128xi32, #tpu.memory_space<hbm>>
      %dma_start3A_373 = tpu.memref_squeeze %dma_start3A_372 : memref<1x200x128xi32, #tpu.memory_space<hbm>> -> memref<200x128xi32, #tpu.memory_space<hbm>>
      tpu.enqueue_dma source(%dma_start3A_373 : memref<200x128xi32, #tpu.memory_space<hbm>>) target(%arg5 : memref<200x128xi32, #tpu.memory_space<vmem>>) target_semaphore(%run_scoped3A : memref<!tpu.dma_semaphore, #tpu.memory_space<semaphore_mem>>)
      %dma_wait3A_374 = arith.constant 0 : i32
      %dma_wait3A_375 = arith.constant 0 : i32
      %dma_wait3A_376 = tpu.memref_slice %arg2[%add3A, %dma_wait3A_374, %dma_wait3A_375] : memref<32x200x128xi32, #tpu.memory_space<hbm>> -> memref<1x200x128xi32, #tpu.memory_space<hbm>>
      %dma_wait3A_377 = tpu.memref_squeeze %dma_wait3A_376 : memref<1x200x128xi32, #tpu.memory_space<hbm>> -> memref<200x128xi32, #tpu.memory_space<hbm>>
      %dma_wait3A_378 = arith.constant 0 : i32
      %dma_wait3A_379 = arith.constant 0 : i32
      %dma_wait3A_380 = tpu.memref_slice %arg2[%add3A, %dma_wait3A_378, %dma_wait3A_379] : memref<32x200x128xi32, #tpu.memory_space<hbm>> -> memref<1x200x128xi32, #tpu.memory_space<hbm>>
      %dma_wait3A_381 = tpu.memref_squeeze %dma_wait3A_380 : memref<1x200x128xi32, #tpu.memory_space<hbm>> -> memref<200x128xi32, #tpu.memory_space<hbm>>
      tpu.wait_dma2 semaphore(%run_scoped3A : memref<!tpu.dma_semaphore, #tpu.memory_space<semaphore_mem>>) src(%dma_wait3A_381 : memref<200x128xi32, #tpu.memory_space<hbm>>) dst(%arg5 : memref<200x128xi32, #tpu.memory_space<vmem>>)
      tpu.yield
    }) : () -> ()
    %dma_start3A = arith.constant 0 : i32
    %dma_start3A_3 = arith.constant 0 : i32
    %dma_start3A_4 = arith.constant 0 : i32
    %dma_start3A_5 = tpu.memref_slice %arg5[%dma_start3A, %dma_start3A_4] : memref<200x128xi32, #tpu.memory_space<vmem>> -> memref<1x128xi32, #tpu.memory_space<vmem>>
    %dma_start3A_6 = tpu.memref_squeeze %dma_start3A_5 : memref<1x128xi32, #tpu.memory_space<vmem>> -> memref<128xi32, #tpu.memory_space<vmem>>
    %dma_start3A_7 = arith.constant 0 : i32
    %dma_start3A_8 = arith.constant 0 : i32
    %dma_start3A_9 = tpu.memref_slice %arg3[%dma_start3A_7, %dma_start3A_8] : memref<100000x128xf32, #tpu.memory_space<hbm>> -> memref<100000x128xf32, #tpu.memory_space<hbm>>
    %dma_start3A_10 = tpu.memref_slice %arg11[%dma_start3A_3] : memref<5x!tpu.dma_semaphore, #tpu.memory_space<semaphore_mem>> -> memref<1x!tpu.dma_semaphore, #tpu.memory_space<semaphore_mem>>
    %dma_start3A_11 = tpu.memref_squeeze %dma_start3A_10 : memref<1x!tpu.dma_semaphore, #tpu.memory_space<semaphore_mem>> -> memref<!tpu.dma_semaphore, #tpu.memory_space<semaphore_mem>>
    tpu.enqueue_indirect_dma source(%dma_start3A_9 : memref<100000x128xf32, #tpu.memory_space<hbm>>) target(%arg6 : memref<128x128xf32, #tpu.memory_space<vmem>>) offsets(%dma_start3A_6 : memref<128xi32, #tpu.memory_space<vmem>>) semaphore(%dma_start3A_11 : memref<!tpu.dma_semaphore, #tpu.memory_space<semaphore_mem>>)
    %dma_start3A_12 = arith.constant 1 : i32
    %dma_start3A_13 = arith.constant 1 : i32
    %dma_start3A_14 = arith.constant 0 : i32
    %dma_start3A_15 = tpu.memref_slice %arg5[%dma_start3A_12, %dma_start3A_14] : memref<200x128xi32, #tpu.memory_space<vmem>> -> memref<1x128xi32, #tpu.memory_space<vmem>>
    %dma_start3A_16 = tpu.memref_squeeze %dma_start3A_15 : memref<1x128xi32, #tpu.memory_space<vmem>> -> memref<128xi32, #tpu.memory_space<vmem>>
    %dma_start3A_17 = arith.constant 0 : i32
    %dma_start3A_18 = arith.constant 0 : i32
    %dma_start3A_19 = tpu.memref_slice %arg3[%dma_start3A_17, %dma_start3A_18] : memref<100000x128xf32, #tpu.memory_space<hbm>> -> memref<100000x128xf32, #tpu.memory_space<hbm>>
    %dma_start3A_20 = tpu.memref_slice %arg11[%dma_start3A_13] : memref<5x!tpu.dma_semaphore, #tpu.memory_space<semaphore_mem>> -> memref<1x!tpu.dma_semaphore, #tpu.memory_space<semaphore_mem>>
    %dma_start3A_21 = tpu.memref_squeeze %dma_start3A_20 : memref<1x!tpu.dma_semaphore, #tpu.memory_space<semaphore_mem>> -> memref<!tpu.dma_semaphore, #tpu.memory_space<semaphore_mem>>
    tpu.enqueue_indirect_dma source(%dma_start3A_19 : memref<100000x128xf32, #tpu.memory_space<hbm>>) target(%arg7 : memref<128x128xf32, #tpu.memory_space<vmem>>) offsets(%dma_start3A_16 : memref<128xi32, #tpu.memory_space<vmem>>) semaphore(%dma_start3A_21 : memref<!tpu.dma_semaphore, #tpu.memory_space<semaphore_mem>>)
    %dma_start3A_22 = arith.constant 2 : i32
    %dma_start3A_23 = arith.constant 2 : i32
    %dma_start3A_24 = arith.constant 0 : i32
    %dma_start3A_25 = tpu.memref_slice %arg5[%dma_start3A_22, %dma_start3A_24] : memref<200x128xi32, #tpu.memory_space<vmem>> -> memref<1x128xi32, #tpu.memory_space<vmem>>
    %dma_start3A_26 = tpu.memref_squeeze %dma_start3A_25 : memref<1x128xi32, #tpu.memory_space<vmem>> -> memref<128xi32, #tpu.memory_space<vmem>>
    %dma_start3A_27 = arith.constant 0 : i32
    %dma_start3A_28 = arith.constant 0 : i32
    %dma_start3A_29 = tpu.memref_slice %arg3[%dma_start3A_27, %dma_start3A_28] : memref<100000x128xf32, #tpu.memory_space<hbm>> -> memref<100000x128xf32, #tpu.memory_space<hbm>>
    %dma_start3A_30 = tpu.memref_slice %arg11[%dma_start3A_23] : memref<5x!tpu.dma_semaphore, #tpu.memory_space<semaphore_mem>> -> memref<1x!tpu.dma_semaphore, #tpu.memory_space<semaphore_mem>>
    %dma_start3A_31 = tpu.memref_squeeze %dma_start3A_30 : memref<1x!tpu.dma_semaphore, #tpu.memory_space<semaphore_mem>> -> memref<!tpu.dma_semaphore, #tpu.memory_space<semaphore_mem>>
    tpu.enqueue_indirect_dma source(%dma_start3A_29 : memref<100000x128xf32, #tpu.memory_space<hbm>>) target(%arg8 : memref<128x128xf32, #tpu.memory_space<vmem>>) offsets(%dma_start3A_26 : memref<128xi32, #tpu.memory_space<vmem>>) semaphore(%dma_start3A_31 : memref<!tpu.dma_semaphore, #tpu.memory_space<semaphore_mem>>)
    %dma_wait3A = arith.constant 0 : i32
    %dma_wait3A_32 = arith.constant 0 : i32
    %dma_wait3A_33 = arith.constant 0 : i32
    %dma_wait3A_34 = tpu.memref_slice %arg5[%dma_wait3A, %dma_wait3A_33] : memref<200x128xi32, #tpu.memory_space<vmem>> -> memref<1x128xi32, #tpu.memory_space<vmem>>
    %dma_wait3A_35 = tpu.memref_squeeze %dma_wait3A_34 : memref<1x128xi32, #tpu.memory_space<vmem>> -> memref<128xi32, #tpu.memory_space<vmem>>
    %dma_wait3A_36 = arith.constant 0 : i32
    %dma_wait3A_37 = arith.constant 0 : i32
    %dma_wait3A_38 = tpu.memref_slice %arg3[%dma_wait3A_36, %dma_wait3A_37] : memref<100000x128xf32, #tpu.memory_space<hbm>> -> memref<100000x128xf32, #tpu.memory_space<hbm>>
    %dma_wait3A_39 = tpu.memref_slice %arg11[%dma_wait3A_32] : memref<5x!tpu.dma_semaphore, #tpu.memory_space<semaphore_mem>> -> memref<1x!tpu.dma_semaphore, #tpu.memory_space<semaphore_mem>>
    %dma_wait3A_40 = tpu.memref_squeeze %dma_wait3A_39 : memref<1x!tpu.dma_semaphore, #tpu.memory_space<semaphore_mem>> -> memref<!tpu.dma_semaphore, #tpu.memory_space<semaphore_mem>>
    tpu.wait_indirect_dma semaphore(%dma_wait3A_40 : memref<!tpu.dma_semaphore, #tpu.memory_space<semaphore_mem>>) src(%dma_wait3A_38 : memref<100000x128xf32, #tpu.memory_space<hbm>>) dst(%arg6 : memref<128x128xf32, #tpu.memory_space<vmem>>)
    %add3A_41 = arith.constant 0 : i32
    %add3A_42 = arith.addi %mul3A_2, %add3A_41 : i32
    %dma_start3A_43 = arith.constant 0 : i32
    %dma_start3A_44 = arith.constant 0 : i32
    %dma_start3A_45 = tpu.memref_slice %arg4[%add3A_42, %dma_start3A_44] : memref<819200x128xf32, #tpu.memory_space<hbm>> -> memref<128x128xf32, #tpu.memory_space<hbm>>
    %dma_start3A_46 = tpu.memref_slice %arg12[%dma_start3A_43] : memref<5x!tpu.dma_semaphore, #tpu.memory_space<semaphore_mem>> -> memref<1x!tpu.dma_semaphore, #tpu.memory_space<semaphore_mem>>
    %dma_start3A_47 = tpu.memref_squeeze %dma_start3A_46 : memref<1x!tpu.dma_semaphore, #tpu.memory_space<semaphore_mem>> -> memref<!tpu.dma_semaphore, #tpu.memory_space<semaphore_mem>>
    %dma_start3A_48 = arith.constant 0 : i32
    %dma_start3A_49 = tpu.memref_slice %arg4[%add3A_42, %dma_start3A_48] : memref<819200x128xf32, #tpu.memory_space<hbm>> -> memref<128x128xf32, #tpu.memory_space<hbm>>
    tpu.enqueue_dma source(%arg6 : memref<128x128xf32, #tpu.memory_space<vmem>>) target(%dma_start3A_49 : memref<128x128xf32, #tpu.memory_space<hbm>>) target_semaphore(%dma_start3A_47 : memref<!tpu.dma_semaphore, #tpu.memory_space<semaphore_mem>>)
    %dma_start3A_50 = arith.constant 3 : i32
    %dma_start3A_51 = arith.constant 3 : i32
    %dma_start3A_52 = arith.constant 0 : i32
    %dma_start3A_53 = tpu.memref_slice %arg5[%dma_start3A_50, %dma_start3A_52] : memref<200x128xi32, #tpu.memory_space<vmem>> -> memref<1x128xi32, #tpu.memory_space<vmem>>
    %dma_start3A_54 = tpu.memref_squeeze %dma_start3A_53 : memref<1x128xi32, #tpu.memory_space<vmem>> -> memref<128xi32, #tpu.memory_space<vmem>>
    %dma_start3A_55 = arith.constant 0 : i32
    %dma_start3A_56 = arith.constant 0 : i32
    %dma_start3A_57 = tpu.memref_slice %arg3[%dma_start3A_55, %dma_start3A_56] : memref<100000x128xf32, #tpu.memory_space<hbm>> -> memref<100000x128xf32, #tpu.memory_space<hbm>>
    %dma_start3A_58 = tpu.memref_slice %arg11[%dma_start3A_51] : memref<5x!tpu.dma_semaphore, #tpu.memory_space<semaphore_mem>> -> memref<1x!tpu.dma_semaphore, #tpu.memory_space<semaphore_mem>>
    %dma_start3A_59 = tpu.memref_squeeze %dma_start3A_58 : memref<1x!tpu.dma_semaphore, #tpu.memory_space<semaphore_mem>> -> memref<!tpu.dma_semaphore, #tpu.memory_space<semaphore_mem>>
    tpu.enqueue_indirect_dma source(%dma_start3A_57 : memref<100000x128xf32, #tpu.memory_space<hbm>>) target(%arg9 : memref<128x128xf32, #tpu.memory_space<vmem>>) offsets(%dma_start3A_54 : memref<128xi32, #tpu.memory_space<vmem>>) semaphore(%dma_start3A_59 : memref<!tpu.dma_semaphore, #tpu.memory_space<semaphore_mem>>)
    %dma_wait3A_60 = arith.constant 0 : i32
    %dma_wait3A_61 = arith.constant 1 : i32
    %dma_wait3A_62 = arith.constant 0 : i32
    %dma_wait3A_63 = tpu.memref_slice %arg5[%dma_wait3A_60, %dma_wait3A_62] : memref<200x128xi32, #tpu.memory_space<vmem>> -> memref<1x128xi32, #tpu.memory_space<vmem>>
    %dma_wait3A_64 = tpu.memref_squeeze %dma_wait3A_63 : memref<1x128xi32, #tpu.memory_space<vmem>> -> memref<128xi32, #tpu.memory_space<vmem>>
    %dma_wait3A_65 = arith.constant 0 : i32
    %dma_wait3A_66 = arith.constant 0 : i32
    %dma_wait3A_67 = tpu.memref_slice %arg3[%dma_wait3A_65, %dma_wait3A_66] : memref<100000x128xf32, #tpu.memory_space<hbm>> -> memref<100000x128xf32, #tpu.memory_space<hbm>>
    %dma_wait3A_68 = tpu.memref_slice %arg11[%dma_wait3A_61] : memref<5x!tpu.dma_semaphore, #tpu.memory_space<semaphore_mem>> -> memref<1x!tpu.dma_semaphore, #tpu.memory_space<semaphore_mem>>
    %dma_wait3A_69 = tpu.memref_squeeze %dma_wait3A_68 : memref<1x!tpu.dma_semaphore, #tpu.memory_space<semaphore_mem>> -> memref<!tpu.dma_semaphore, #tpu.memory_space<semaphore_mem>>
    tpu.wait_indirect_dma semaphore(%dma_wait3A_69 : memref<!tpu.dma_semaphore, #tpu.memory_space<semaphore_mem>>) src(%dma_wait3A_67 : memref<100000x128xf32, #tpu.memory_space<hbm>>) dst(%arg7 : memref<128x128xf32, #tpu.memory_space<vmem>>)
    %add3A_70 = arith.constant 128 : i32
    %add3A_71 = arith.addi %mul3A_2, %add3A_70 : i32
    %dma_start3A_72 = arith.constant 1 : i32
    %dma_start3A_73 = arith.constant 0 : i32
    %dma_start3A_74 = tpu.memref_slice %arg4[%add3A_71, %dma_start3A_73] : memref<819200x128xf32, #tpu.memory_space<hbm>> -> memref<128x128xf32, #tpu.memory_space<hbm>>
    %dma_start3A_75 = tpu.memref_slice %arg12[%dma_start3A_72] : memref<5x!tpu.dma_semaphore, #tpu.memory_space<semaphore_mem>> -> memref<1x!tpu.dma_semaphore, #tpu.memory_space<semaphore_mem>>
    %dma_start3A_76 = tpu.memref_squeeze %dma_start3A_75 : memref<1x!tpu.dma_semaphore, #tpu.memory_space<semaphore_mem>> -> memref<!tpu.dma_semaphore, #tpu.memory_space<semaphore_mem>>
    %dma_start3A_77 = arith.constant 0 : i32
    %dma_start3A_78 = tpu.memref_slice %arg4[%add3A_71, %dma_start3A_77] : memref<819200x128xf32, #tpu.memory_space<hbm>> -> memref<128x128xf32, #tpu.memory_space<hbm>>
    tpu.enqueue_dma source(%arg7 : memref<128x128xf32, #tpu.memory_space<vmem>>) target(%dma_start3A_78 : memref<128x128xf32, #tpu.memory_space<hbm>>) target_semaphore(%dma_start3A_76 : memref<!tpu.dma_semaphore, #tpu.memory_space<semaphore_mem>>)
    %dma_start3A_79 = arith.constant 4 : i32
    %dma_start3A_80 = arith.constant 4 : i32
    %dma_start3A_81 = arith.constant 0 : i32
    %dma_start3A_82 = tpu.memref_slice %arg5[%dma_start3A_79, %dma_start3A_81] : memref<200x128xi32, #tpu.memory_space<vmem>> -> memref<1x128xi32, #tpu.memory_space<vmem>>
    %dma_start3A_83 = tpu.memref_squeeze %dma_start3A_82 : memref<1x128xi32, #tpu.memory_space<vmem>> -> memref<128xi32, #tpu.memory_space<vmem>>
    %dma_start3A_84 = arith.constant 0 : i32
    %dma_start3A_85 = arith.constant 0 : i32
    %dma_start3A_86 = tpu.memref_slice %arg3[%dma_start3A_84, %dma_start3A_85] : memref<100000x128xf32, #tpu.memory_space<hbm>> -> memref<100000x128xf32, #tpu.memory_space<hbm>>
    %dma_start3A_87 = tpu.memref_slice %arg11[%dma_start3A_80] : memref<5x!tpu.dma_semaphore, #tpu.memory_space<semaphore_mem>> -> memref<1x!tpu.dma_semaphore, #tpu.memory_space<semaphore_mem>>
    %dma_start3A_88 = tpu.memref_squeeze %dma_start3A_87 : memref<1x!tpu.dma_semaphore, #tpu.memory_space<semaphore_mem>> -> memref<!tpu.dma_semaphore, #tpu.memory_space<semaphore_mem>>
    tpu.enqueue_indirect_dma source(%dma_start3A_86 : memref<100000x128xf32, #tpu.memory_space<hbm>>) target(%arg10 : memref<128x128xf32, #tpu.memory_space<vmem>>) offsets(%dma_start3A_83 : memref<128xi32, #tpu.memory_space<vmem>>) semaphore(%dma_start3A_88 : memref<!tpu.dma_semaphore, #tpu.memory_space<semaphore_mem>>)
    %dma_wait3A_89 = arith.constant 0 : i32
    %dma_wait3A_90 = arith.constant 2 : i32
    %dma_wait3A_91 = arith.constant 0 : i32
    %dma_wait3A_92 = tpu.memref_slice %arg5[%dma_wait3A_89, %dma_wait3A_91] : memref<200x128xi32, #tpu.memory_space<vmem>> -> memref<1x128xi32, #tpu.memory_space<vmem>>
    %dma_wait3A_93 = tpu.memref_squeeze %dma_wait3A_92 : memref<1x128xi32, #tpu.memory_space<vmem>> -> memref<128xi32, #tpu.memory_space<vmem>>
    %dma_wait3A_94 = arith.constant 0 : i32
    %dma_wait3A_95 = arith.constant 0 : i32
    %dma_wait3A_96 = tpu.memref_slice %arg3[%dma_wait3A_94, %dma_wait3A_95] : memref<100000x128xf32, #tpu.memory_space<hbm>> -> memref<100000x128xf32, #tpu.memory_space<hbm>>
    %dma_wait3A_97 = tpu.memref_slice %arg11[%dma_wait3A_90] : memref<5x!tpu.dma_semaphore, #tpu.memory_space<semaphore_mem>> -> memref<1x!tpu.dma_semaphore, #tpu.memory_space<semaphore_mem>>
    %dma_wait3A_98 = tpu.memref_squeeze %dma_wait3A_97 : memref<1x!tpu.dma_semaphore, #tpu.memory_space<semaphore_mem>> -> memref<!tpu.dma_semaphore, #tpu.memory_space<semaphore_mem>>
    tpu.wait_indirect_dma semaphore(%dma_wait3A_98 : memref<!tpu.dma_semaphore, #tpu.memory_space<semaphore_mem>>) src(%dma_wait3A_96 : memref<100000x128xf32, #tpu.memory_space<hbm>>) dst(%arg8 : memref<128x128xf32, #tpu.memory_space<vmem>>)
    %add3A_99 = arith.constant 256 : i32
    %add3A_100 = arith.addi %mul3A_2, %add3A_99 : i32
    %dma_start3A_101 = arith.constant 2 : i32
    %dma_start3A_102 = arith.constant 0 : i32
    %dma_start3A_103 = tpu.memref_slice %arg4[%add3A_100, %dma_start3A_102] : memref<819200x128xf32, #tpu.memory_space<hbm>> -> memref<128x128xf32, #tpu.memory_space<hbm>>
    %dma_start3A_104 = tpu.memref_slice %arg12[%dma_start3A_101] : memref<5x!tpu.dma_semaphore, #tpu.memory_space<semaphore_mem>> -> memref<1x!tpu.dma_semaphore, #tpu.memory_space<semaphore_mem>>
    %dma_start3A_105 = tpu.memref_squeeze %dma_start3A_104 : memref<1x!tpu.dma_semaphore, #tpu.memory_space<semaphore_mem>> -> memref<!tpu.dma_semaphore, #tpu.memory_space<semaphore_mem>>
    %dma_start3A_106 = arith.constant 0 : i32
    %dma_start3A_107 = tpu.memref_slice %arg4[%add3A_100, %dma_start3A_106] : memref<819200x128xf32, #tpu.memory_space<hbm>> -> memref<128x128xf32, #tpu.memory_space<hbm>>
    tpu.enqueue_dma source(%arg8 : memref<128x128xf32, #tpu.memory_space<vmem>>) target(%dma_start3A_107 : memref<128x128xf32, #tpu.memory_space<hbm>>) target_semaphore(%dma_start3A_105 : memref<!tpu.dma_semaphore, #tpu.memory_space<semaphore_mem>>)
    %dma_wait3A_108 = arith.constant 0 : i32
    %dma_wait3A_109 = arith.constant 0 : i32
    %dma_wait3A_110 = tpu.memref_slice %arg4[%mul3A_2, %dma_wait3A_109] : memref<819200x128xf32, #tpu.memory_space<hbm>> -> memref<128x128xf32, #tpu.memory_space<hbm>>
    %dma_wait3A_111 = tpu.memref_slice %arg12[%dma_wait3A_108] : memref<5x!tpu.dma_semaphore, #tpu.memory_space<semaphore_mem>> -> memref<1x!tpu.dma_semaphore, #tpu.memory_space<semaphore_mem>>
    %dma_wait3A_112 = tpu.memref_squeeze %dma_wait3A_111 : memref<1x!tpu.dma_semaphore, #tpu.memory_space<semaphore_mem>> -> memref<!tpu.dma_semaphore, #tpu.memory_space<semaphore_mem>>
    %dma_wait3A_113 = arith.constant 0 : i32
    %dma_wait3A_114 = tpu.memref_slice %arg4[%mul3A_2, %dma_wait3A_113] : memref<819200x128xf32, #tpu.memory_space<hbm>> -> memref<128x128xf32, #tpu.memory_space<hbm>>
    tpu.wait_dma2 semaphore(%dma_wait3A_112 : memref<!tpu.dma_semaphore, #tpu.memory_space<semaphore_mem>>) src(%arg6 : memref<128x128xf32, #tpu.memory_space<vmem>>) dst(%dma_wait3A_114 : memref<128x128xf32, #tpu.memory_space<hbm>>)
    %dma_start3A_115 = arith.constant 5 : i32
    %dma_start3A_116 = arith.constant 0 : i32
    %dma_start3A_117 = arith.constant 0 : i32
    %dma_start3A_118 = tpu.memref_slice %arg5[%dma_start3A_115, %dma_start3A_117] : memref<200x128xi32, #tpu.memory_space<vmem>> -> memref<1x128xi32, #tpu.memory_space<vmem>>
    %dma_start3A_119 = tpu.memref_squeeze %dma_start3A_118 : memref<1x128xi32, #tpu.memory_space<vmem>> -> memref<128xi32, #tpu.memory_space<vmem>>
    %dma_start3A_120 = arith.constant 0 : i32
    %dma_start3A_121 = arith.constant 0 : i32
    %dma_start3A_122 = tpu.memref_slice %arg3[%dma_start3A_120, %dma_start3A_121] : memref<100000x128xf32, #tpu.memory_space<hbm>> -> memref<100000x128xf32, #tpu.memory_space<hbm>>
    %dma_start3A_123 = tpu.memref_slice %arg11[%dma_start3A_116] : memref<5x!tpu.dma_semaphore, #tpu.memory_space<semaphore_mem>> -> memref<1x!tpu.dma_semaphore, #tpu.memory_space<semaphore_mem>>
    %dma_start3A_124 = tpu.memref_squeeze %dma_start3A_123 : memref<1x!tpu.dma_semaphore, #tpu.memory_space<semaphore_mem>> -> memref<!tpu.dma_semaphore, #tpu.memory_space<semaphore_mem>>
    tpu.enqueue_indirect_dma source(%dma_start3A_122 : memref<100000x128xf32, #tpu.memory_space<hbm>>) target(%arg6 : memref<128x128xf32, #tpu.memory_space<vmem>>) offsets(%dma_start3A_119 : memref<128xi32, #tpu.memory_space<vmem>>) semaphore(%dma_start3A_124 : memref<!tpu.dma_semaphore, #tpu.memory_space<semaphore_mem>>)
    %dma_wait3A_125 = arith.constant 0 : i32
    %dma_wait3A_126 = arith.constant 3 : i32
    %dma_wait3A_127 = arith.constant 0 : i32
    %dma_wait3A_128 = tpu.memref_slice %arg5[%dma_wait3A_125, %dma_wait3A_127] : memref<200x128xi32, #tpu.memory_space<vmem>> -> memref<1x128xi32, #tpu.memory_space<vmem>>
    %dma_wait3A_129 = tpu.memref_squeeze %dma_wait3A_128 : memref<1x128xi32, #tpu.memory_space<vmem>> -> memref<128xi32, #tpu.memory_space<vmem>>
    %dma_wait3A_130 = arith.constant 0 : i32
    %dma_wait3A_131 = arith.constant 0 : i32
    %dma_wait3A_132 = tpu.memref_slice %arg3[%dma_wait3A_130, %dma_wait3A_131] : memref<100000x128xf32, #tpu.memory_space<hbm>> -> memref<100000x128xf32, #tpu.memory_space<hbm>>
    %dma_wait3A_133 = tpu.memref_slice %arg11[%dma_wait3A_126] : memref<5x!tpu.dma_semaphore, #tpu.memory_space<semaphore_mem>> -> memref<1x!tpu.dma_semaphore, #tpu.memory_space<semaphore_mem>>
    %dma_wait3A_134 = tpu.memref_squeeze %dma_wait3A_133 : memref<1x!tpu.dma_semaphore, #tpu.memory_space<semaphore_mem>> -> memref<!tpu.dma_semaphore, #tpu.memory_space<semaphore_mem>>
    tpu.wait_indirect_dma semaphore(%dma_wait3A_134 : memref<!tpu.dma_semaphore, #tpu.memory_space<semaphore_mem>>) src(%dma_wait3A_132 : memref<100000x128xf32, #tpu.memory_space<hbm>>) dst(%arg9 : memref<128x128xf32, #tpu.memory_space<vmem>>)
    %add3A_135 = arith.constant 384 : i32
    %add3A_136 = arith.addi %mul3A_2, %add3A_135 : i32
    %dma_start3A_137 = arith.constant 3 : i32
    %dma_start3A_138 = arith.constant 0 : i32
    %dma_start3A_139 = tpu.memref_slice %arg4[%add3A_136, %dma_start3A_138] : memref<819200x128xf32, #tpu.memory_space<hbm>> -> memref<128x128xf32, #tpu.memory_space<hbm>>
    %dma_start3A_140 = tpu.memref_slice %arg12[%dma_start3A_137] : memref<5x!tpu.dma_semaphore, #tpu.memory_space<semaphore_mem>> -> memref<1x!tpu.dma_semaphore, #tpu.memory_space<semaphore_mem>>
    %dma_start3A_141 = tpu.memref_squeeze %dma_start3A_140 : memref<1x!tpu.dma_semaphore, #tpu.memory_space<semaphore_mem>> -> memref<!tpu.dma_semaphore, #tpu.memory_space<semaphore_mem>>
    %dma_start3A_142 = arith.constant 0 : i32
    %dma_start3A_143 = tpu.memref_slice %arg4[%add3A_136, %dma_start3A_142] : memref<819200x128xf32, #tpu.memory_space<hbm>> -> memref<128x128xf32, #tpu.memory_space<hbm>>
    tpu.enqueue_dma source(%arg9 : memref<128x128xf32, #tpu.memory_space<vmem>>) target(%dma_start3A_143 : memref<128x128xf32, #tpu.memory_space<hbm>>) target_semaphore(%dma_start3A_141 : memref<!tpu.dma_semaphore, #tpu.memory_space<semaphore_mem>>)
    %dma_wait3A_144 = arith.constant 1 : i32
    %dma_wait3A_145 = arith.constant 0 : i32
    %dma_wait3A_146 = tpu.memref_slice %arg4[%mul3A_2, %dma_wait3A_145] : memref<819200x128xf32, #tpu.memory_space<hbm>> -> memref<128x128xf32, #tpu.memory_space<hbm>>
    %dma_wait3A_147 = tpu.memref_slice %arg12[%dma_wait3A_144] : memref<5x!tpu.dma_semaphore, #tpu.memory_space<semaphore_mem>> -> memref<1x!tpu.dma_semaphore, #tpu.memory_space<semaphore_mem>>
    %dma_wait3A_148 = tpu.memref_squeeze %dma_wait3A_147 : memref<1x!tpu.dma_semaphore, #tpu.memory_space<semaphore_mem>> -> memref<!tpu.dma_semaphore, #tpu.memory_space<semaphore_mem>>
    %dma_wait3A_149 = arith.constant 0 : i32
    %dma_wait3A_150 = tpu.memref_slice %arg4[%mul3A_2, %dma_wait3A_149] : memref<819200x128xf32, #tpu.memory_space<hbm>> -> memref<128x128xf32, #tpu.memory_space<hbm>>
    tpu.wait_dma2 semaphore(%dma_wait3A_148 : memref<!tpu.dma_semaphore, #tpu.memory_space<semaphore_mem>>) src(%arg7 : memref<128x128xf32, #tpu.memory_space<vmem>>) dst(%dma_wait3A_150 : memref<128x128xf32, #tpu.memory_space<hbm>>)
    %dma_start3A_151 = arith.constant 6 : i32
    %dma_start3A_152 = arith.constant 1 : i32
    %dma_start3A_153 = arith.constant 0 : i32
    %dma_start3A_154 = tpu.memref_slice %arg5[%dma_start3A_151, %dma_start3A_153] : memref<200x128xi32, #tpu.memory_space<vmem>> -> memref<1x128xi32, #tpu.memory_space<vmem>>
    %dma_start3A_155 = tpu.memref_squeeze %dma_start3A_154 : memref<1x128xi32, #tpu.memory_space<vmem>> -> memref<128xi32, #tpu.memory_space<vmem>>
    %dma_start3A_156 = arith.constant 0 : i32
    %dma_start3A_157 = arith.constant 0 : i32
    %dma_start3A_158 = tpu.memref_slice %arg3[%dma_start3A_156, %dma_start3A_157] : memref<100000x128xf32, #tpu.memory_space<hbm>> -> memref<100000x128xf32, #tpu.memory_space<hbm>>
    %dma_start3A_159 = tpu.memref_slice %arg11[%dma_start3A_152] : memref<5x!tpu.dma_semaphore, #tpu.memory_space<semaphore_mem>> -> memref<1x!tpu.dma_semaphore, #tpu.memory_space<semaphore_mem>>
    %dma_start3A_160 = tpu.memref_squeeze %dma_start3A_159 : memref<1x!tpu.dma_semaphore, #tpu.memory_space<semaphore_mem>> -> memref<!tpu.dma_semaphore, #tpu.memory_space<semaphore_mem>>
    tpu.enqueue_indirect_dma source(%dma_start3A_158 : memref<100000x128xf32, #tpu.memory_space<hbm>>) target(%arg7 : memref<128x128xf32, #tpu.memory_space<vmem>>) offsets(%dma_start3A_155 : memref<128xi32, #tpu.memory_space<vmem>>) semaphore(%dma_start3A_160 : memref<!tpu.dma_semaphore, #tpu.memory_space<semaphore_mem>>)
    %dma_wait3A_161 = arith.constant 0 : i32
    %dma_wait3A_162 = arith.constant 4 : i32
    %dma_wait3A_163 = arith.constant 0 : i32
    %dma_wait3A_164 = tpu.memref_slice %arg5[%dma_wait3A_161, %dma_wait3A_163] : memref<200x128xi32, #tpu.memory_space<vmem>> -> memref<1x128xi32, #tpu.memory_space<vmem>>
    %dma_wait3A_165 = tpu.memref_squeeze %dma_wait3A_164 : memref<1x128xi32, #tpu.memory_space<vmem>> -> memref<128xi32, #tpu.memory_space<vmem>>
    %dma_wait3A_166 = arith.constant 0 : i32
    %dma_wait3A_167 = arith.constant 0 : i32
    %dma_wait3A_168 = tpu.memref_slice %arg3[%dma_wait3A_166, %dma_wait3A_167] : memref<100000x128xf32, #tpu.memory_space<hbm>> -> memref<100000x128xf32, #tpu.memory_space<hbm>>
    %dma_wait3A_169 = tpu.memref_slice %arg11[%dma_wait3A_162] : memref<5x!tpu.dma_semaphore, #tpu.memory_space<semaphore_mem>> -> memref<1x!tpu.dma_semaphore, #tpu.memory_space<semaphore_mem>>
    %dma_wait3A_170 = tpu.memref_squeeze %dma_wait3A_169 : memref<1x!tpu.dma_semaphore, #tpu.memory_space<semaphore_mem>> -> memref<!tpu.dma_semaphore, #tpu.memory_space<semaphore_mem>>
    tpu.wait_indirect_dma semaphore(%dma_wait3A_170 : memref<!tpu.dma_semaphore, #tpu.memory_space<semaphore_mem>>) src(%dma_wait3A_168 : memref<100000x128xf32, #tpu.memory_space<hbm>>) dst(%arg10 : memref<128x128xf32, #tpu.memory_space<vmem>>)
    %add3A_171 = arith.constant 512 : i32
    %add3A_172 = arith.addi %mul3A_2, %add3A_171 : i32
    %dma_start3A_173 = arith.constant 4 : i32
    %dma_start3A_174 = arith.constant 0 : i32
    %dma_start3A_175 = tpu.memref_slice %arg4[%add3A_172, %dma_start3A_174] : memref<819200x128xf32, #tpu.memory_space<hbm>> -> memref<128x128xf32, #tpu.memory_space<hbm>>
    %dma_start3A_176 = tpu.memref_slice %arg12[%dma_start3A_173] : memref<5x!tpu.dma_semaphore, #tpu.memory_space<semaphore_mem>> -> memref<1x!tpu.dma_semaphore, #tpu.memory_space<semaphore_mem>>
    %dma_start3A_177 = tpu.memref_squeeze %dma_start3A_176 : memref<1x!tpu.dma_semaphore, #tpu.memory_space<semaphore_mem>> -> memref<!tpu.dma_semaphore, #tpu.memory_space<semaphore_mem>>
    %dma_start3A_178 = arith.constant 0 : i32
    %dma_start3A_179 = tpu.memref_slice %arg4[%add3A_172, %dma_start3A_178] : memref<819200x128xf32, #tpu.memory_space<hbm>> -> memref<128x128xf32, #tpu.memory_space<hbm>>
    tpu.enqueue_dma source(%arg10 : memref<128x128xf32, #tpu.memory_space<vmem>>) target(%dma_start3A_179 : memref<128x128xf32, #tpu.memory_space<hbm>>) target_semaphore(%dma_start3A_177 : memref<!tpu.dma_semaphore, #tpu.memory_space<semaphore_mem>>)
    %dma_wait3A_180 = arith.constant 2 : i32
    %dma_wait3A_181 = arith.constant 0 : i32
    %dma_wait3A_182 = tpu.memref_slice %arg4[%mul3A_2, %dma_wait3A_181] : memref<819200x128xf32, #tpu.memory_space<hbm>> -> memref<128x128xf32, #tpu.memory_space<hbm>>
    %dma_wait3A_183 = tpu.memref_slice %arg12[%dma_wait3A_180] : memref<5x!tpu.dma_semaphore, #tpu.memory_space<semaphore_mem>> -> memref<1x!tpu.dma_semaphore, #tpu.memory_space<semaphore_mem>>
    %dma_wait3A_184 = tpu.memref_squeeze %dma_wait3A_183 : memref<1x!tpu.dma_semaphore, #tpu.memory_space<semaphore_mem>> -> memref<!tpu.dma_semaphore, #tpu.memory_space<semaphore_mem>>
    %dma_wait3A_185 = arith.constant 0 : i32
    %dma_wait3A_186 = tpu.memref_slice %arg4[%mul3A_2, %dma_wait3A_185] : memref<819200x128xf32, #tpu.memory_space<hbm>> -> memref<128x128xf32, #tpu.memory_space<hbm>>
    tpu.wait_dma2 semaphore(%dma_wait3A_184 : memref<!tpu.dma_semaphore, #tpu.memory_space<semaphore_mem>>) src(%arg8 : memref<128x128xf32, #tpu.memory_space<vmem>>) dst(%dma_wait3A_186 : memref<128x128xf32, #tpu.memory_space<hbm>>)
    %dma_start3A_187 = arith.constant 7 : i32
    %dma_start3A_188 = arith.constant 2 : i32
    %dma_start3A_189 = arith.constant 0 : i32
    %dma_start3A_190 = tpu.memref_slice %arg5[%dma_start3A_187, %dma_start3A_189] : memref<200x128xi32, #tpu.memory_space<vmem>> -> memref<1x128xi32, #tpu.memory_space<vmem>>
    %dma_start3A_191 = tpu.memref_squeeze %dma_start3A_190 : memref<1x128xi32, #tpu.memory_space<vmem>> -> memref<128xi32, #tpu.memory_space<vmem>>
    %dma_start3A_192 = arith.constant 0 : i32
    %dma_start3A_193 = arith.constant 0 : i32
    %dma_start3A_194 = tpu.memref_slice %arg3[%dma_start3A_192, %dma_start3A_193] : memref<100000x128xf32, #tpu.memory_space<hbm>> -> memref<100000x128xf32, #tpu.memory_space<hbm>>
    %dma_start3A_195 = tpu.memref_slice %arg11[%dma_start3A_188] : memref<5x!tpu.dma_semaphore, #tpu.memory_space<semaphore_mem>> -> memref<1x!tpu.dma_semaphore, #tpu.memory_space<semaphore_mem>>
    %dma_start3A_196 = tpu.memref_squeeze %dma_start3A_195 : memref<1x!tpu.dma_semaphore, #tpu.memory_space<semaphore_mem>> -> memref<!tpu.dma_semaphore, #tpu.memory_space<semaphore_mem>>
    tpu.enqueue_indirect_dma source(%dma_start3A_194 : memref<100000x128xf32, #tpu.memory_space<hbm>>) target(%arg8 : memref<128x128xf32, #tpu.memory_space<vmem>>) offsets(%dma_start3A_191 : memref<128xi32, #tpu.memory_space<vmem>>) semaphore(%dma_start3A_196 : memref<!tpu.dma_semaphore, #tpu.memory_space<semaphore_mem>>)
    %scan3A = arith.constant 0 : i32
    %scan3A_197 = arith.constant 1 : i32
    %scan3A_198 = arith.constant 38 : i32
    %scan3A_199 = arith.addi %scan3A_197, %scan3A_198 : i32
    %scan3A_200 = arith.constant 1 : i32
    scf.for %scan3A_366 = %scan3A_197 to %scan3A_199 step %scan3A_200  : i32 {
      %mul3A_367 = arith.constant 5 : i32
      %mul3A_368 = arith.muli %scan3A_366, %mul3A_367 : i32
      %add3A_369 = arith.constant 0 : i32
      %add3A_370 = arith.addi %mul3A_368, %add3A_369 : i32
      %dma_wait3A_371 = arith.constant 0 : i32
      %dma_wait3A_372 = arith.constant 0 : i32
      %dma_wait3A_373 = arith.constant 0 : i32
      %dma_wait3A_374 = tpu.memref_slice %arg5[%dma_wait3A_371, %dma_wait3A_373] : memref<200x128xi32, #tpu.memory_space<vmem>> -> memref<1x128xi32, #tpu.memory_space<vmem>>
      %dma_wait3A_375 = tpu.memref_squeeze %dma_wait3A_374 : memref<1x128xi32, #tpu.memory_space<vmem>> -> memref<128xi32, #tpu.memory_space<vmem>>
      %dma_wait3A_376 = arith.constant 0 : i32
      %dma_wait3A_377 = arith.constant 0 : i32
      %dma_wait3A_378 = tpu.memref_slice %arg3[%dma_wait3A_376, %dma_wait3A_377] : memref<100000x128xf32, #tpu.memory_space<hbm>> -> memref<100000x128xf32, #tpu.memory_space<hbm>>
      %dma_wait3A_379 = tpu.memref_slice %arg11[%dma_wait3A_372] : memref<5x!tpu.dma_semaphore, #tpu.memory_space<semaphore_mem>> -> memref<1x!tpu.dma_semaphore, #tpu.memory_space<semaphore_mem>>
      %dma_wait3A_380 = tpu.memref_squeeze %dma_wait3A_379 : memref<1x!tpu.dma_semaphore, #tpu.memory_space<semaphore_mem>> -> memref<!tpu.dma_semaphore, #tpu.memory_space<semaphore_mem>>
      tpu.wait_indirect_dma semaphore(%dma_wait3A_380 : memref<!tpu.dma_semaphore, #tpu.memory_space<semaphore_mem>>) src(%dma_wait3A_378 : memref<100000x128xf32, #tpu.memory_space<hbm>>) dst(%arg6 : memref<128x128xf32, #tpu.memory_space<vmem>>)
      %mul3A_381 = arith.constant 128 : i32
      %mul3A_382 = arith.muli %add3A_370, %mul3A_381 : i32
      %add3A_383 = arith.addi %mul3A_2, %mul3A_382 : i32
      %dma_start3A_384 = arith.constant 0 : i32
      %dma_start3A_385 = arith.constant 0 : i32
      %dma_start3A_386 = tpu.memref_slice %arg4[%add3A_383, %dma_start3A_385] : memref<819200x128xf32, #tpu.memory_space<hbm>> -> memref<128x128xf32, #tpu.memory_space<hbm>>
      %dma_start3A_387 = tpu.memref_slice %arg12[%dma_start3A_384] : memref<5x!tpu.dma_semaphore, #tpu.memory_space<semaphore_mem>> -> memref<1x!tpu.dma_semaphore, #tpu.memory_space<semaphore_mem>>
      %dma_start3A_388 = tpu.memref_squeeze %dma_start3A_387 : memref<1x!tpu.dma_semaphore, #tpu.memory_space<semaphore_mem>> -> memref<!tpu.dma_semaphore, #tpu.memory_space<semaphore_mem>>
      %dma_start3A_389 = arith.constant 0 : i32
      %dma_start3A_390 = tpu.memref_slice %arg4[%add3A_383, %dma_start3A_389] : memref<819200x128xf32, #tpu.memory_space<hbm>> -> memref<128x128xf32, #tpu.memory_space<hbm>>
      tpu.enqueue_dma source(%arg6 : memref<128x128xf32, #tpu.memory_space<vmem>>) target(%dma_start3A_390 : memref<128x128xf32, #tpu.memory_space<hbm>>) target_semaphore(%dma_start3A_388 : memref<!tpu.dma_semaphore, #tpu.memory_space<semaphore_mem>>)
      %dma_wait3A_391 = arith.constant 3 : i32
      %dma_wait3A_392 = arith.constant 0 : i32
      %dma_wait3A_393 = tpu.memref_slice %arg4[%mul3A_2, %dma_wait3A_392] : memref<819200x128xf32, #tpu.memory_space<hbm>> -> memref<128x128xf32, #tpu.memory_space<hbm>>
      %dma_wait3A_394 = tpu.memref_slice %arg12[%dma_wait3A_391] : memref<5x!tpu.dma_semaphore, #tpu.memory_space<semaphore_mem>> -> memref<1x!tpu.dma_semaphore, #tpu.memory_space<semaphore_mem>>
      %dma_wait3A_395 = tpu.memref_squeeze %dma_wait3A_394 : memref<1x!tpu.dma_semaphore, #tpu.memory_space<semaphore_mem>> -> memref<!tpu.dma_semaphore, #tpu.memory_space<semaphore_mem>>
      %dma_wait3A_396 = arith.constant 0 : i32
      %dma_wait3A_397 = tpu.memref_slice %arg4[%mul3A_2, %dma_wait3A_396] : memref<819200x128xf32, #tpu.memory_space<hbm>> -> memref<128x128xf32, #tpu.memory_space<hbm>>
      tpu.wait_dma2 semaphore(%dma_wait3A_395 : memref<!tpu.dma_semaphore, #tpu.memory_space<semaphore_mem>>) src(%arg9 : memref<128x128xf32, #tpu.memory_space<vmem>>) dst(%dma_wait3A_397 : memref<128x128xf32, #tpu.memory_space<hbm>>)
      %add3A_398 = arith.constant 3 : i32
      %add3A_399 = arith.addi %add3A_370, %add3A_398 : i32
      %dma_start3A_400 = arith.constant 3 : i32
      %dma_start3A_401 = arith.constant 0 : i32
      %dma_start3A_402 = tpu.memref_slice %arg5[%add3A_399, %dma_start3A_401] : memref<200x128xi32, #tpu.memory_space<vmem>> -> memref<1x128xi32, #tpu.memory_space<vmem>>
      %dma_start3A_403 = tpu.memref_squeeze %dma_start3A_402 : memref<1x128xi32, #tpu.memory_space<vmem>> -> memref<128xi32, #tpu.memory_space<vmem>>
      %dma_start3A_404 = arith.constant 0 : i32
      %dma_start3A_405 = arith.constant 0 : i32
      %dma_start3A_406 = tpu.memref_slice %arg3[%dma_start3A_404, %dma_start3A_405] : memref<100000x128xf32, #tpu.memory_space<hbm>> -> memref<100000x128xf32, #tpu.memory_space<hbm>>
      %dma_start3A_407 = tpu.memref_slice %arg11[%dma_start3A_400] : memref<5x!tpu.dma_semaphore, #tpu.memory_space<semaphore_mem>> -> memref<1x!tpu.dma_semaphore, #tpu.memory_space<semaphore_mem>>
      %dma_start3A_408 = tpu.memref_squeeze %dma_start3A_407 : memref<1x!tpu.dma_semaphore, #tpu.memory_space<semaphore_mem>> -> memref<!tpu.dma_semaphore, #tpu.memory_space<semaphore_mem>>
      tpu.enqueue_indirect_dma source(%dma_start3A_406 : memref<100000x128xf32, #tpu.memory_space<hbm>>) target(%arg9 : memref<128x128xf32, #tpu.memory_space<vmem>>) offsets(%dma_start3A_403 : memref<128xi32, #tpu.memory_space<vmem>>) semaphore(%dma_start3A_408 : memref<!tpu.dma_semaphore, #tpu.memory_space<semaphore_mem>>)
      %mul3A_409 = arith.constant 5 : i32
      %mul3A_410 = arith.muli %scan3A_366, %mul3A_409 : i32
      %add3A_411 = arith.constant 1 : i32
      %add3A_412 = arith.addi %mul3A_410, %add3A_411 : i32
      %dma_wait3A_413 = arith.constant 0 : i32
      %dma_wait3A_414 = arith.constant 1 : i32
      %dma_wait3A_415 = arith.constant 0 : i32
      %dma_wait3A_416 = tpu.memref_slice %arg5[%dma_wait3A_413, %dma_wait3A_415] : memref<200x128xi32, #tpu.memory_space<vmem>> -> memref<1x128xi32, #tpu.memory_space<vmem>>
      %dma_wait3A_417 = tpu.memref_squeeze %dma_wait3A_416 : memref<1x128xi32, #tpu.memory_space<vmem>> -> memref<128xi32, #tpu.memory_space<vmem>>
      %dma_wait3A_418 = arith.constant 0 : i32
      %dma_wait3A_419 = arith.constant 0 : i32
      %dma_wait3A_420 = tpu.memref_slice %arg3[%dma_wait3A_418, %dma_wait3A_419] : memref<100000x128xf32, #tpu.memory_space<hbm>> -> memref<100000x128xf32, #tpu.memory_space<hbm>>
      %dma_wait3A_421 = tpu.memref_slice %arg11[%dma_wait3A_414] : memref<5x!tpu.dma_semaphore, #tpu.memory_space<semaphore_mem>> -> memref<1x!tpu.dma_semaphore, #tpu.memory_space<semaphore_mem>>
      %dma_wait3A_422 = tpu.memref_squeeze %dma_wait3A_421 : memref<1x!tpu.dma_semaphore, #tpu.memory_space<semaphore_mem>> -> memref<!tpu.dma_semaphore, #tpu.memory_space<semaphore_mem>>
      tpu.wait_indirect_dma semaphore(%dma_wait3A_422 : memref<!tpu.dma_semaphore, #tpu.memory_space<semaphore_mem>>) src(%dma_wait3A_420 : memref<100000x128xf32, #tpu.memory_space<hbm>>) dst(%arg7 : memref<128x128xf32, #tpu.memory_space<vmem>>)
      %mul3A_423 = arith.constant 128 : i32
      %mul3A_424 = arith.muli %add3A_412, %mul3A_423 : i32
      %add3A_425 = arith.addi %mul3A_2, %mul3A_424 : i32
      %dma_start3A_426 = arith.constant 1 : i32
      %dma_start3A_427 = arith.constant 0 : i32
      %dma_start3A_428 = tpu.memref_slice %arg4[%add3A_425, %dma_start3A_427] : memref<819200x128xf32, #tpu.memory_space<hbm>> -> memref<128x128xf32, #tpu.memory_space<hbm>>
      %dma_start3A_429 = tpu.memref_slice %arg12[%dma_start3A_426] : memref<5x!tpu.dma_semaphore, #tpu.memory_space<semaphore_mem>> -> memref<1x!tpu.dma_semaphore, #tpu.memory_space<semaphore_mem>>
      %dma_start3A_430 = tpu.memref_squeeze %dma_start3A_429 : memref<1x!tpu.dma_semaphore, #tpu.memory_space<semaphore_mem>> -> memref<!tpu.dma_semaphore, #tpu.memory_space<semaphore_mem>>
      %dma_start3A_431 = arith.constant 0 : i32
      %dma_start3A_432 = tpu.memref_slice %arg4[%add3A_425, %dma_start3A_431] : memref<819200x128xf32, #tpu.memory_space<hbm>> -> memref<128x128xf32, #tpu.memory_space<hbm>>
      tpu.enqueue_dma source(%arg7 : memref<128x128xf32, #tpu.memory_space<vmem>>) target(%dma_start3A_432 : memref<128x128xf32, #tpu.memory_space<hbm>>) target_semaphore(%dma_start3A_430 : memref<!tpu.dma_semaphore, #tpu.memory_space<semaphore_mem>>)
      %dma_wait3A_433 = arith.constant 4 : i32
      %dma_wait3A_434 = arith.constant 0 : i32
      %dma_wait3A_435 = tpu.memref_slice %arg4[%mul3A_2, %dma_wait3A_434] : memref<819200x128xf32, #tpu.memory_space<hbm>> -> memref<128x128xf32, #tpu.memory_space<hbm>>
      %dma_wait3A_436 = tpu.memref_slice %arg12[%dma_wait3A_433] : memref<5x!tpu.dma_semaphore, #tpu.memory_space<semaphore_mem>> -> memref<1x!tpu.dma_semaphore, #tpu.memory_space<semaphore_mem>>
      %dma_wait3A_437 = tpu.memref_squeeze %dma_wait3A_436 : memref<1x!tpu.dma_semaphore, #tpu.memory_space<semaphore_mem>> -> memref<!tpu.dma_semaphore, #tpu.memory_space<semaphore_mem>>
      %dma_wait3A_438 = arith.constant 0 : i32
      %dma_wait3A_439 = tpu.memref_slice %arg4[%mul3A_2, %dma_wait3A_438] : memref<819200x128xf32, #tpu.memory_space<hbm>> -> memref<128x128xf32, #tpu.memory_space<hbm>>
      tpu.wait_dma2 semaphore(%dma_wait3A_437 : memref<!tpu.dma_semaphore, #tpu.memory_space<semaphore_mem>>) src(%arg10 : memref<128x128xf32, #tpu.memory_space<vmem>>) dst(%dma_wait3A_439 : memref<128x128xf32, #tpu.memory_space<hbm>>)
      %add3A_440 = arith.constant 3 : i32
      %add3A_441 = arith.addi %add3A_412, %add3A_440 : i32
      %dma_start3A_442 = arith.constant 4 : i32
      %dma_start3A_443 = arith.constant 0 : i32
      %dma_start3A_444 = tpu.memref_slice %arg5[%add3A_441, %dma_start3A_443] : memref<200x128xi32, #tpu.memory_space<vmem>> -> memref<1x128xi32, #tpu.memory_space<vmem>>
      %dma_start3A_445 = tpu.memref_squeeze %dma_start3A_444 : memref<1x128xi32, #tpu.memory_space<vmem>> -> memref<128xi32, #tpu.memory_space<vmem>>
      %dma_start3A_446 = arith.constant 0 : i32
      %dma_start3A_447 = arith.constant 0 : i32
      %dma_start3A_448 = tpu.memref_slice %arg3[%dma_start3A_446, %dma_start3A_447] : memref<100000x128xf32, #tpu.memory_space<hbm>> -> memref<100000x128xf32, #tpu.memory_space<hbm>>
      %dma_start3A_449 = tpu.memref_slice %arg11[%dma_start3A_442] : memref<5x!tpu.dma_semaphore, #tpu.memory_space<semaphore_mem>> -> memref<1x!tpu.dma_semaphore, #tpu.memory_space<semaphore_mem>>
      %dma_start3A_450 = tpu.memref_squeeze %dma_start3A_449 : memref<1x!tpu.dma_semaphore, #tpu.memory_space<semaphore_mem>> -> memref<!tpu.dma_semaphore, #tpu.memory_space<semaphore_mem>>
      tpu.enqueue_indirect_dma source(%dma_start3A_448 : memref<100000x128xf32, #tpu.memory_space<hbm>>) target(%arg10 : memref<128x128xf32, #tpu.memory_space<vmem>>) offsets(%dma_start3A_445 : memref<128xi32, #tpu.memory_space<vmem>>) semaphore(%dma_start3A_450 : memref<!tpu.dma_semaphore, #tpu.memory_space<semaphore_mem>>)
      %mul3A_451 = arith.constant 5 : i32
      %mul3A_452 = arith.muli %scan3A_366, %mul3A_451 : i32
      %add3A_453 = arith.constant 2 : i32
      %add3A_454 = arith.addi %mul3A_452, %add3A_453 : i32
      %dma_wait3A_455 = arith.constant 0 : i32
      %dma_wait3A_456 = arith.constant 2 : i32
      %dma_wait3A_457 = arith.constant 0 : i32
      %dma_wait3A_458 = tpu.memref_slice %arg5[%dma_wait3A_455, %dma_wait3A_457] : memref<200x128xi32, #tpu.memory_space<vmem>> -> memref<1x128xi32, #tpu.memory_space<vmem>>
      %dma_wait3A_459 = tpu.memref_squeeze %dma_wait3A_458 : memref<1x128xi32, #tpu.memory_space<vmem>> -> memref<128xi32, #tpu.memory_space<vmem>>
      %dma_wait3A_460 = arith.constant 0 : i32
      %dma_wait3A_461 = arith.constant 0 : i32
      %dma_wait3A_462 = tpu.memref_slice %arg3[%dma_wait3A_460, %dma_wait3A_461] : memref<100000x128xf32, #tpu.memory_space<hbm>> -> memref<100000x128xf32, #tpu.memory_space<hbm>>
      %dma_wait3A_463 = tpu.memref_slice %arg11[%dma_wait3A_456] : memref<5x!tpu.dma_semaphore, #tpu.memory_space<semaphore_mem>> -> memref<1x!tpu.dma_semaphore, #tpu.memory_space<semaphore_mem>>
      %dma_wait3A_464 = tpu.memref_squeeze %dma_wait3A_463 : memref<1x!tpu.dma_semaphore, #tpu.memory_space<semaphore_mem>> -> memref<!tpu.dma_semaphore, #tpu.memory_space<semaphore_mem>>
      tpu.wait_indirect_dma semaphore(%dma_wait3A_464 : memref<!tpu.dma_semaphore, #tpu.memory_space<semaphore_mem>>) src(%dma_wait3A_462 : memref<100000x128xf32, #tpu.memory_space<hbm>>) dst(%arg8 : memref<128x128xf32, #tpu.memory_space<vmem>>)
      %mul3A_465 = arith.constant 128 : i32
      %mul3A_466 = arith.muli %add3A_454, %mul3A_465 : i32
      %add3A_467 = arith.addi %mul3A_2, %mul3A_466 : i32
      %dma_start3A_468 = arith.constant 2 : i32
      %dma_start3A_469 = arith.constant 0 : i32
      %dma_start3A_470 = tpu.memref_slice %arg4[%add3A_467, %dma_start3A_469] : memref<819200x128xf32, #tpu.memory_space<hbm>> -> memref<128x128xf32, #tpu.memory_space<hbm>>
      %dma_start3A_471 = tpu.memref_slice %arg12[%dma_start3A_468] : memref<5x!tpu.dma_semaphore, #tpu.memory_space<semaphore_mem>> -> memref<1x!tpu.dma_semaphore, #tpu.memory_space<semaphore_mem>>
      %dma_start3A_472 = tpu.memref_squeeze %dma_start3A_471 : memref<1x!tpu.dma_semaphore, #tpu.memory_space<semaphore_mem>> -> memref<!tpu.dma_semaphore, #tpu.memory_space<semaphore_mem>>
      %dma_start3A_473 = arith.constant 0 : i32
      %dma_start3A_474 = tpu.memref_slice %arg4[%add3A_467, %dma_start3A_473] : memref<819200x128xf32, #tpu.memory_space<hbm>> -> memref<128x128xf32, #tpu.memory_space<hbm>>
      tpu.enqueue_dma source(%arg8 : memref<128x128xf32, #tpu.memory_space<vmem>>) target(%dma_start3A_474 : memref<128x128xf32, #tpu.memory_space<hbm>>) target_semaphore(%dma_start3A_472 : memref<!tpu.dma_semaphore, #tpu.memory_space<semaphore_mem>>)
      %dma_wait3A_475 = arith.constant 0 : i32
      %dma_wait3A_476 = arith.constant 0 : i32
      %dma_wait3A_477 = tpu.memref_slice %arg4[%mul3A_2, %dma_wait3A_476] : memref<819200x128xf32, #tpu.memory_space<hbm>> -> memref<128x128xf32, #tpu.memory_space<hbm>>
      %dma_wait3A_478 = tpu.memref_slice %arg12[%dma_wait3A_475] : memref<5x!tpu.dma_semaphore, #tpu.memory_space<semaphore_mem>> -> memref<1x!tpu.dma_semaphore, #tpu.memory_space<semaphore_mem>>
      %dma_wait3A_479 = tpu.memref_squeeze %dma_wait3A_478 : memref<1x!tpu.dma_semaphore, #tpu.memory_space<semaphore_mem>> -> memref<!tpu.dma_semaphore, #tpu.memory_space<semaphore_mem>>
      %dma_wait3A_480 = arith.constant 0 : i32
      %dma_wait3A_481 = tpu.memref_slice %arg4[%mul3A_2, %dma_wait3A_480] : memref<819200x128xf32, #tpu.memory_space<hbm>> -> memref<128x128xf32, #tpu.memory_space<hbm>>
      tpu.wait_dma2 semaphore(%dma_wait3A_479 : memref<!tpu.dma_semaphore, #tpu.memory_space<semaphore_mem>>) src(%arg6 : memref<128x128xf32, #tpu.memory_space<vmem>>) dst(%dma_wait3A_481 : memref<128x128xf32, #tpu.memory_space<hbm>>)
      %add3A_482 = arith.constant 3 : i32
      %add3A_483 = arith.addi %add3A_454, %add3A_482 : i32
      %dma_start3A_484 = arith.constant 0 : i32
      %dma_start3A_485 = arith.constant 0 : i32
      %dma_start3A_486 = tpu.memref_slice %arg5[%add3A_483, %dma_start3A_485] : memref<200x128xi32, #tpu.memory_space<vmem>> -> memref<1x128xi32, #tpu.memory_space<vmem>>
      %dma_start3A_487 = tpu.memref_squeeze %dma_start3A_486 : memref<1x128xi32, #tpu.memory_space<vmem>> -> memref<128xi32, #tpu.memory_space<vmem>>
      %dma_start3A_488 = arith.constant 0 : i32
      %dma_start3A_489 = arith.constant 0 : i32
      %dma_start3A_490 = tpu.memref_slice %arg3[%dma_start3A_488, %dma_start3A_489] : memref<100000x128xf32, #tpu.memory_space<hbm>> -> memref<100000x128xf32, #tpu.memory_space<hbm>>
      %dma_start3A_491 = tpu.memref_slice %arg11[%dma_start3A_484] : memref<5x!tpu.dma_semaphore, #tpu.memory_space<semaphore_mem>> -> memref<1x!tpu.dma_semaphore, #tpu.memory_space<semaphore_mem>>
      %dma_start3A_492 = tpu.memref_squeeze %dma_start3A_491 : memref<1x!tpu.dma_semaphore, #tpu.memory_space<semaphore_mem>> -> memref<!tpu.dma_semaphore, #tpu.memory_space<semaphore_mem>>
      tpu.enqueue_indirect_dma source(%dma_start3A_490 : memref<100000x128xf32, #tpu.memory_space<hbm>>) target(%arg6 : memref<128x128xf32, #tpu.memory_space<vmem>>) offsets(%dma_start3A_487 : memref<128xi32, #tpu.memory_space<vmem>>) semaphore(%dma_start3A_492 : memref<!tpu.dma_semaphore, #tpu.memory_space<semaphore_mem>>)
      %mul3A_493 = arith.constant 5 : i32
      %mul3A_494 = arith.muli %scan3A_366, %mul3A_493 : i32
      %add3A_495 = arith.constant 3 : i32
      %add3A_496 = arith.addi %mul3A_494, %add3A_495 : i32
      %dma_wait3A_497 = arith.constant 0 : i32
      %dma_wait3A_498 = arith.constant 3 : i32
      %dma_wait3A_499 = arith.constant 0 : i32
      %dma_wait3A_500 = tpu.memref_slice %arg5[%dma_wait3A_497, %dma_wait3A_499] : memref<200x128xi32, #tpu.memory_space<vmem>> -> memref<1x128xi32, #tpu.memory_space<vmem>>
      %dma_wait3A_501 = tpu.memref_squeeze %dma_wait3A_500 : memref<1x128xi32, #tpu.memory_space<vmem>> -> memref<128xi32, #tpu.memory_space<vmem>>
      %dma_wait3A_502 = arith.constant 0 : i32
      %dma_wait3A_503 = arith.constant 0 : i32
      %dma_wait3A_504 = tpu.memref_slice %arg3[%dma_wait3A_502, %dma_wait3A_503] : memref<100000x128xf32, #tpu.memory_space<hbm>> -> memref<100000x128xf32, #tpu.memory_space<hbm>>
      %dma_wait3A_505 = tpu.memref_slice %arg11[%dma_wait3A_498] : memref<5x!tpu.dma_semaphore, #tpu.memory_space<semaphore_mem>> -> memref<1x!tpu.dma_semaphore, #tpu.memory_space<semaphore_mem>>
      %dma_wait3A_506 = tpu.memref_squeeze %dma_wait3A_505 : memref<1x!tpu.dma_semaphore, #tpu.memory_space<semaphore_mem>> -> memref<!tpu.dma_semaphore, #tpu.memory_space<semaphore_mem>>
      tpu.wait_indirect_dma semaphore(%dma_wait3A_506 : memref<!tpu.dma_semaphore, #tpu.memory_space<semaphore_mem>>) src(%dma_wait3A_504 : memref<100000x128xf32, #tpu.memory_space<hbm>>) dst(%arg9 : memref<128x128xf32, #tpu.memory_space<vmem>>)
      %mul3A_507 = arith.constant 128 : i32
      %mul3A_508 = arith.muli %add3A_496, %mul3A_507 : i32
      %add3A_509 = arith.addi %mul3A_2, %mul3A_508 : i32
      %dma_start3A_510 = arith.constant 3 : i32
      %dma_start3A_511 = arith.constant 0 : i32
      %dma_start3A_512 = tpu.memref_slice %arg4[%add3A_509, %dma_start3A_511] : memref<819200x128xf32, #tpu.memory_space<hbm>> -> memref<128x128xf32, #tpu.memory_space<hbm>>
      %dma_start3A_513 = tpu.memref_slice %arg12[%dma_start3A_510] : memref<5x!tpu.dma_semaphore, #tpu.memory_space<semaphore_mem>> -> memref<1x!tpu.dma_semaphore, #tpu.memory_space<semaphore_mem>>
      %dma_start3A_514 = tpu.memref_squeeze %dma_start3A_513 : memref<1x!tpu.dma_semaphore, #tpu.memory_space<semaphore_mem>> -> memref<!tpu.dma_semaphore, #tpu.memory_space<semaphore_mem>>
      %dma_start3A_515 = arith.constant 0 : i32
      %dma_start3A_516 = tpu.memref_slice %arg4[%add3A_509, %dma_start3A_515] : memref<819200x128xf32, #tpu.memory_space<hbm>> -> memref<128x128xf32, #tpu.memory_space<hbm>>
      tpu.enqueue_dma source(%arg9 : memref<128x128xf32, #tpu.memory_space<vmem>>) target(%dma_start3A_516 : memref<128x128xf32, #tpu.memory_space<hbm>>) target_semaphore(%dma_start3A_514 : memref<!tpu.dma_semaphore, #tpu.memory_space<semaphore_mem>>)
      %dma_wait3A_517 = arith.constant 1 : i32
      %dma_wait3A_518 = arith.constant 0 : i32
      %dma_wait3A_519 = tpu.memref_slice %arg4[%mul3A_2, %dma_wait3A_518] : memref<819200x128xf32, #tpu.memory_space<hbm>> -> memref<128x128xf32, #tpu.memory_space<hbm>>
      %dma_wait3A_520 = tpu.memref_slice %arg12[%dma_wait3A_517] : memref<5x!tpu.dma_semaphore, #tpu.memory_space<semaphore_mem>> -> memref<1x!tpu.dma_semaphore, #tpu.memory_space<semaphore_mem>>
      %dma_wait3A_521 = tpu.memref_squeeze %dma_wait3A_520 : memref<1x!tpu.dma_semaphore, #tpu.memory_space<semaphore_mem>> -> memref<!tpu.dma_semaphore, #tpu.memory_space<semaphore_mem>>
      %dma_wait3A_522 = arith.constant 0 : i32
      %dma_wait3A_523 = tpu.memref_slice %arg4[%mul3A_2, %dma_wait3A_522] : memref<819200x128xf32, #tpu.memory_space<hbm>> -> memref<128x128xf32, #tpu.memory_space<hbm>>
      tpu.wait_dma2 semaphore(%dma_wait3A_521 : memref<!tpu.dma_semaphore, #tpu.memory_space<semaphore_mem>>) src(%arg7 : memref<128x128xf32, #tpu.memory_space<vmem>>) dst(%dma_wait3A_523 : memref<128x128xf32, #tpu.memory_space<hbm>>)
      %add3A_524 = arith.constant 3 : i32
      %add3A_525 = arith.addi %add3A_496, %add3A_524 : i32
      %dma_start3A_526 = arith.constant 1 : i32
      %dma_start3A_527 = arith.constant 0 : i32
      %dma_start3A_528 = tpu.memref_slice %arg5[%add3A_525, %dma_start3A_527] : memref<200x128xi32, #tpu.memory_space<vmem>> -> memref<1x128xi32, #tpu.memory_space<vmem>>
      %dma_start3A_529 = tpu.memref_squeeze %dma_start3A_528 : memref<1x128xi32, #tpu.memory_space<vmem>> -> memref<128xi32, #tpu.memory_space<vmem>>
      %dma_start3A_530 = arith.constant 0 : i32
      %dma_start3A_531 = arith.constant 0 : i32
      %dma_start3A_532 = tpu.memref_slice %arg3[%dma_start3A_530, %dma_start3A_531] : memref<100000x128xf32, #tpu.memory_space<hbm>> -> memref<100000x128xf32, #tpu.memory_space<hbm>>
      %dma_start3A_533 = tpu.memref_slice %arg11[%dma_start3A_526] : memref<5x!tpu.dma_semaphore, #tpu.memory_space<semaphore_mem>> -> memref<1x!tpu.dma_semaphore, #tpu.memory_space<semaphore_mem>>
      %dma_start3A_534 = tpu.memref_squeeze %dma_start3A_533 : memref<1x!tpu.dma_semaphore, #tpu.memory_space<semaphore_mem>> -> memref<!tpu.dma_semaphore, #tpu.memory_space<semaphore_mem>>
      tpu.enqueue_indirect_dma source(%dma_start3A_532 : memref<100000x128xf32, #tpu.memory_space<hbm>>) target(%arg7 : memref<128x128xf32, #tpu.memory_space<vmem>>) offsets(%dma_start3A_529 : memref<128xi32, #tpu.memory_space<vmem>>) semaphore(%dma_start3A_534 : memref<!tpu.dma_semaphore, #tpu.memory_space<semaphore_mem>>)
      %mul3A_535 = arith.constant 5 : i32
      %mul3A_536 = arith.muli %scan3A_366, %mul3A_535 : i32
      %add3A_537 = arith.constant 4 : i32
      %add3A_538 = arith.addi %mul3A_536, %add3A_537 : i32
      %dma_wait3A_539 = arith.constant 0 : i32
      %dma_wait3A_540 = arith.constant 4 : i32
      %dma_wait3A_541 = arith.constant 0 : i32
      %dma_wait3A_542 = tpu.memref_slice %arg5[%dma_wait3A_539, %dma_wait3A_541] : memref<200x128xi32, #tpu.memory_space<vmem>> -> memref<1x128xi32, #tpu.memory_space<vmem>>
      %dma_wait3A_543 = tpu.memref_squeeze %dma_wait3A_542 : memref<1x128xi32, #tpu.memory_space<vmem>> -> memref<128xi32, #tpu.memory_space<vmem>>
      %dma_wait3A_544 = arith.constant 0 : i32
      %dma_wait3A_545 = arith.constant 0 : i32
      %dma_wait3A_546 = tpu.memref_slice %arg3[%dma_wait3A_544, %dma_wait3A_545] : memref<100000x128xf32, #tpu.memory_space<hbm>> -> memref<100000x128xf32, #tpu.memory_space<hbm>>
      %dma_wait3A_547 = tpu.memref_slice %arg11[%dma_wait3A_540] : memref<5x!tpu.dma_semaphore, #tpu.memory_space<semaphore_mem>> -> memref<1x!tpu.dma_semaphore, #tpu.memory_space<semaphore_mem>>
      %dma_wait3A_548 = tpu.memref_squeeze %dma_wait3A_547 : memref<1x!tpu.dma_semaphore, #tpu.memory_space<semaphore_mem>> -> memref<!tpu.dma_semaphore, #tpu.memory_space<semaphore_mem>>
      tpu.wait_indirect_dma semaphore(%dma_wait3A_548 : memref<!tpu.dma_semaphore, #tpu.memory_space<semaphore_mem>>) src(%dma_wait3A_546 : memref<100000x128xf32, #tpu.memory_space<hbm>>) dst(%arg10 : memref<128x128xf32, #tpu.memory_space<vmem>>)
      %mul3A_549 = arith.constant 128 : i32
      %mul3A_550 = arith.muli %add3A_538, %mul3A_549 : i32
      %add3A_551 = arith.addi %mul3A_2, %mul3A_550 : i32
      %dma_start3A_552 = arith.constant 4 : i32
      %dma_start3A_553 = arith.constant 0 : i32
      %dma_start3A_554 = tpu.memref_slice %arg4[%add3A_551, %dma_start3A_553] : memref<819200x128xf32, #tpu.memory_space<hbm>> -> memref<128x128xf32, #tpu.memory_space<hbm>>
      %dma_start3A_555 = tpu.memref_slice %arg12[%dma_start3A_552] : memref<5x!tpu.dma_semaphore, #tpu.memory_space<semaphore_mem>> -> memref<1x!tpu.dma_semaphore, #tpu.memory_space<semaphore_mem>>
      %dma_start3A_556 = tpu.memref_squeeze %dma_start3A_555 : memref<1x!tpu.dma_semaphore, #tpu.memory_space<semaphore_mem>> -> memref<!tpu.dma_semaphore, #tpu.memory_space<semaphore_mem>>
      %dma_start3A_557 = arith.constant 0 : i32
      %dma_start3A_558 = tpu.memref_slice %arg4[%add3A_551, %dma_start3A_557] : memref<819200x128xf32, #tpu.memory_space<hbm>> -> memref<128x128xf32, #tpu.memory_space<hbm>>
      tpu.enqueue_dma source(%arg10 : memref<128x128xf32, #tpu.memory_space<vmem>>) target(%dma_start3A_558 : memref<128x128xf32, #tpu.memory_space<hbm>>) target_semaphore(%dma_start3A_556 : memref<!tpu.dma_semaphore, #tpu.memory_space<semaphore_mem>>)
      %dma_wait3A_559 = arith.constant 2 : i32
      %dma_wait3A_560 = arith.constant 0 : i32
      %dma_wait3A_561 = tpu.memref_slice %arg4[%mul3A_2, %dma_wait3A_560] : memref<819200x128xf32, #tpu.memory_space<hbm>> -> memref<128x128xf32, #tpu.memory_space<hbm>>
      %dma_wait3A_562 = tpu.memref_slice %arg12[%dma_wait3A_559] : memref<5x!tpu.dma_semaphore, #tpu.memory_space<semaphore_mem>> -> memref<1x!tpu.dma_semaphore, #tpu.memory_space<semaphore_mem>>
      %dma_wait3A_563 = tpu.memref_squeeze %dma_wait3A_562 : memref<1x!tpu.dma_semaphore, #tpu.memory_space<semaphore_mem>> -> memref<!tpu.dma_semaphore, #tpu.memory_space<semaphore_mem>>
      %dma_wait3A_564 = arith.constant 0 : i32
      %dma_wait3A_565 = tpu.memref_slice %arg4[%mul3A_2, %dma_wait3A_564] : memref<819200x128xf32, #tpu.memory_space<hbm>> -> memref<128x128xf32, #tpu.memory_space<hbm>>
      tpu.wait_dma2 semaphore(%dma_wait3A_563 : memref<!tpu.dma_semaphore, #tpu.memory_space<semaphore_mem>>) src(%arg8 : memref<128x128xf32, #tpu.memory_space<vmem>>) dst(%dma_wait3A_565 : memref<128x128xf32, #tpu.memory_space<hbm>>)
      %add3A_566 = arith.constant 3 : i32
      %add3A_567 = arith.addi %add3A_538, %add3A_566 : i32
      %dma_start3A_568 = arith.constant 2 : i32
      %dma_start3A_569 = arith.constant 0 : i32
      %dma_start3A_570 = tpu.memref_slice %arg5[%add3A_567, %dma_start3A_569] : memref<200x128xi32, #tpu.memory_space<vmem>> -> memref<1x128xi32, #tpu.memory_space<vmem>>
      %dma_start3A_571 = tpu.memref_squeeze %dma_start3A_570 : memref<1x128xi32, #tpu.memory_space<vmem>> -> memref<128xi32, #tpu.memory_space<vmem>>
      %dma_start3A_572 = arith.constant 0 : i32
      %dma_start3A_573 = arith.constant 0 : i32
      %dma_start3A_574 = tpu.memref_slice %arg3[%dma_start3A_572, %dma_start3A_573] : memref<100000x128xf32, #tpu.memory_space<hbm>> -> memref<100000x128xf32, #tpu.memory_space<hbm>>
      %dma_start3A_575 = tpu.memref_slice %arg11[%dma_start3A_568] : memref<5x!tpu.dma_semaphore, #tpu.memory_space<semaphore_mem>> -> memref<1x!tpu.dma_semaphore, #tpu.memory_space<semaphore_mem>>
      %dma_start3A_576 = tpu.memref_squeeze %dma_start3A_575 : memref<1x!tpu.dma_semaphore, #tpu.memory_space<semaphore_mem>> -> memref<!tpu.dma_semaphore, #tpu.memory_space<semaphore_mem>>
      tpu.enqueue_indirect_dma source(%dma_start3A_574 : memref<100000x128xf32, #tpu.memory_space<hbm>>) target(%arg8 : memref<128x128xf32, #tpu.memory_space<vmem>>) offsets(%dma_start3A_571 : memref<128xi32, #tpu.memory_space<vmem>>) semaphore(%dma_start3A_576 : memref<!tpu.dma_semaphore, #tpu.memory_space<semaphore_mem>>)
    }
    %scan3A_201 = arith.constant 38 : i32
    %dma_wait3A_202 = arith.constant 0 : i32
    %dma_wait3A_203 = arith.constant 0 : i32
    %dma_wait3A_204 = arith.constant 0 : i32
    %dma_wait3A_205 = tpu.memref_slice %arg5[%dma_wait3A_202, %dma_wait3A_204] : memref<200x128xi32, #tpu.memory_space<vmem>> -> memref<1x128xi32, #tpu.memory_space<vmem>>
    %dma_wait3A_206 = tpu.memref_squeeze %dma_wait3A_205 : memref<1x128xi32, #tpu.memory_space<vmem>> -> memref<128xi32, #tpu.memory_space<vmem>>
    %dma_wait3A_207 = arith.constant 0 : i32
    %dma_wait3A_208 = arith.constant 0 : i32
    %dma_wait3A_209 = tpu.memref_slice %arg3[%dma_wait3A_207, %dma_wait3A_208] : memref<100000x128xf32, #tpu.memory_space<hbm>> -> memref<100000x128xf32, #tpu.memory_space<hbm>>
    %dma_wait3A_210 = tpu.memref_slice %arg11[%dma_wait3A_203] : memref<5x!tpu.dma_semaphore, #tpu.memory_space<semaphore_mem>> -> memref<1x!tpu.dma_semaphore, #tpu.memory_space<semaphore_mem>>
    %dma_wait3A_211 = tpu.memref_squeeze %dma_wait3A_210 : memref<1x!tpu.dma_semaphore, #tpu.memory_space<semaphore_mem>> -> memref<!tpu.dma_semaphore, #tpu.memory_space<semaphore_mem>>
    tpu.wait_indirect_dma semaphore(%dma_wait3A_211 : memref<!tpu.dma_semaphore, #tpu.memory_space<semaphore_mem>>) src(%dma_wait3A_209 : memref<100000x128xf32, #tpu.memory_space<hbm>>) dst(%arg6 : memref<128x128xf32, #tpu.memory_space<vmem>>)
    %add3A_212 = arith.constant 24960 : i32
    %add3A_213 = arith.addi %mul3A_2, %add3A_212 : i32
    %dma_start3A_214 = arith.constant 0 : i32
    %dma_start3A_215 = arith.constant 0 : i32
    %dma_start3A_216 = tpu.memref_slice %arg4[%add3A_213, %dma_start3A_215] : memref<819200x128xf32, #tpu.memory_space<hbm>> -> memref<128x128xf32, #tpu.memory_space<hbm>>
    %dma_start3A_217 = tpu.memref_slice %arg12[%dma_start3A_214] : memref<5x!tpu.dma_semaphore, #tpu.memory_space<semaphore_mem>> -> memref<1x!tpu.dma_semaphore, #tpu.memory_space<semaphore_mem>>
    %dma_start3A_218 = tpu.memref_squeeze %dma_start3A_217 : memref<1x!tpu.dma_semaphore, #tpu.memory_space<semaphore_mem>> -> memref<!tpu.dma_semaphore, #tpu.memory_space<semaphore_mem>>
    %dma_start3A_219 = arith.constant 0 : i32
    %dma_start3A_220 = tpu.memref_slice %arg4[%add3A_213, %dma_start3A_219] : memref<819200x128xf32, #tpu.memory_space<hbm>> -> memref<128x128xf32, #tpu.memory_space<hbm>>
    tpu.enqueue_dma source(%arg6 : memref<128x128xf32, #tpu.memory_space<vmem>>) target(%dma_start3A_220 : memref<128x128xf32, #tpu.memory_space<hbm>>) target_semaphore(%dma_start3A_218 : memref<!tpu.dma_semaphore, #tpu.memory_space<semaphore_mem>>)
    %dma_wait3A_221 = arith.constant 3 : i32
    %dma_wait3A_222 = arith.constant 0 : i32
    %dma_wait3A_223 = tpu.memref_slice %arg4[%mul3A_2, %dma_wait3A_222] : memref<819200x128xf32, #tpu.memory_space<hbm>> -> memref<128x128xf32, #tpu.memory_space<hbm>>
    %dma_wait3A_224 = tpu.memref_slice %arg12[%dma_wait3A_221] : memref<5x!tpu.dma_semaphore, #tpu.memory_space<semaphore_mem>> -> memref<1x!tpu.dma_semaphore, #tpu.memory_space<semaphore_mem>>
    %dma_wait3A_225 = tpu.memref_squeeze %dma_wait3A_224 : memref<1x!tpu.dma_semaphore, #tpu.memory_space<semaphore_mem>> -> memref<!tpu.dma_semaphore, #tpu.memory_space<semaphore_mem>>
    %dma_wait3A_226 = arith.constant 0 : i32
    %dma_wait3A_227 = tpu.memref_slice %arg4[%mul3A_2, %dma_wait3A_226] : memref<819200x128xf32, #tpu.memory_space<hbm>> -> memref<128x128xf32, #tpu.memory_space<hbm>>
    tpu.wait_dma2 semaphore(%dma_wait3A_225 : memref<!tpu.dma_semaphore, #tpu.memory_space<semaphore_mem>>) src(%arg9 : memref<128x128xf32, #tpu.memory_space<vmem>>) dst(%dma_wait3A_227 : memref<128x128xf32, #tpu.memory_space<hbm>>)
    %dma_start3A_228 = arith.constant 198 : i32
    %dma_start3A_229 = arith.constant 3 : i32
    %dma_start3A_230 = arith.constant 0 : i32
    %dma_start3A_231 = tpu.memref_slice %arg5[%dma_start3A_228, %dma_start3A_230] : memref<200x128xi32, #tpu.memory_space<vmem>> -> memref<1x128xi32, #tpu.memory_space<vmem>>
    %dma_start3A_232 = tpu.memref_squeeze %dma_start3A_231 : memref<1x128xi32, #tpu.memory_space<vmem>> -> memref<128xi32, #tpu.memory_space<vmem>>
    %dma_start3A_233 = arith.constant 0 : i32
    %dma_start3A_234 = arith.constant 0 : i32
    %dma_start3A_235 = tpu.memref_slice %arg3[%dma_start3A_233, %dma_start3A_234] : memref<100000x128xf32, #tpu.memory_space<hbm>> -> memref<100000x128xf32, #tpu.memory_space<hbm>>
    %dma_start3A_236 = tpu.memref_slice %arg11[%dma_start3A_229] : memref<5x!tpu.dma_semaphore, #tpu.memory_space<semaphore_mem>> -> memref<1x!tpu.dma_semaphore, #tpu.memory_space<semaphore_mem>>
    %dma_start3A_237 = tpu.memref_squeeze %dma_start3A_236 : memref<1x!tpu.dma_semaphore, #tpu.memory_space<semaphore_mem>> -> memref<!tpu.dma_semaphore, #tpu.memory_space<semaphore_mem>>
    tpu.enqueue_indirect_dma source(%dma_start3A_235 : memref<100000x128xf32, #tpu.memory_space<hbm>>) target(%arg9 : memref<128x128xf32, #tpu.memory_space<vmem>>) offsets(%dma_start3A_232 : memref<128xi32, #tpu.memory_space<vmem>>) semaphore(%dma_start3A_237 : memref<!tpu.dma_semaphore, #tpu.memory_space<semaphore_mem>>)
    %dma_wait3A_238 = arith.constant 0 : i32
    %dma_wait3A_239 = arith.constant 1 : i32
    %dma_wait3A_240 = arith.constant 0 : i32
    %dma_wait3A_241 = tpu.memref_slice %arg5[%dma_wait3A_238, %dma_wait3A_240] : memref<200x128xi32, #tpu.memory_space<vmem>> -> memref<1x128xi32, #tpu.memory_space<vmem>>
    %dma_wait3A_242 = tpu.memref_squeeze %dma_wait3A_241 : memref<1x128xi32, #tpu.memory_space<vmem>> -> memref<128xi32, #tpu.memory_space<vmem>>
    %dma_wait3A_243 = arith.constant 0 : i32
    %dma_wait3A_244 = arith.constant 0 : i32
    %dma_wait3A_245 = tpu.memref_slice %arg3[%dma_wait3A_243, %dma_wait3A_244] : memref<100000x128xf32, #tpu.memory_space<hbm>> -> memref<100000x128xf32, #tpu.memory_space<hbm>>
    %dma_wait3A_246 = tpu.memref_slice %arg11[%dma_wait3A_239] : memref<5x!tpu.dma_semaphore, #tpu.memory_space<semaphore_mem>> -> memref<1x!tpu.dma_semaphore, #tpu.memory_space<semaphore_mem>>
    %dma_wait3A_247 = tpu.memref_squeeze %dma_wait3A_246 : memref<1x!tpu.dma_semaphore, #tpu.memory_space<semaphore_mem>> -> memref<!tpu.dma_semaphore, #tpu.memory_space<semaphore_mem>>
    tpu.wait_indirect_dma semaphore(%dma_wait3A_247 : memref<!tpu.dma_semaphore, #tpu.memory_space<semaphore_mem>>) src(%dma_wait3A_245 : memref<100000x128xf32, #tpu.memory_space<hbm>>) dst(%arg7 : memref<128x128xf32, #tpu.memory_space<vmem>>)
    %add3A_248 = arith.constant 25088 : i32
    %add3A_249 = arith.addi %mul3A_2, %add3A_248 : i32
    %dma_start3A_250 = arith.constant 1 : i32
    %dma_start3A_251 = arith.constant 0 : i32
    %dma_start3A_252 = tpu.memref_slice %arg4[%add3A_249, %dma_start3A_251] : memref<819200x128xf32, #tpu.memory_space<hbm>> -> memref<128x128xf32, #tpu.memory_space<hbm>>
    %dma_start3A_253 = tpu.memref_slice %arg12[%dma_start3A_250] : memref<5x!tpu.dma_semaphore, #tpu.memory_space<semaphore_mem>> -> memref<1x!tpu.dma_semaphore, #tpu.memory_space<semaphore_mem>>
    %dma_start3A_254 = tpu.memref_squeeze %dma_start3A_253 : memref<1x!tpu.dma_semaphore, #tpu.memory_space<semaphore_mem>> -> memref<!tpu.dma_semaphore, #tpu.memory_space<semaphore_mem>>
    %dma_start3A_255 = arith.constant 0 : i32
    %dma_start3A_256 = tpu.memref_slice %arg4[%add3A_249, %dma_start3A_255] : memref<819200x128xf32, #tpu.memory_space<hbm>> -> memref<128x128xf32, #tpu.memory_space<hbm>>
    tpu.enqueue_dma source(%arg7 : memref<128x128xf32, #tpu.memory_space<vmem>>) target(%dma_start3A_256 : memref<128x128xf32, #tpu.memory_space<hbm>>) target_semaphore(%dma_start3A_254 : memref<!tpu.dma_semaphore, #tpu.memory_space<semaphore_mem>>)
    %dma_wait3A_257 = arith.constant 4 : i32
    %dma_wait3A_258 = arith.constant 0 : i32
    %dma_wait3A_259 = tpu.memref_slice %arg4[%mul3A_2, %dma_wait3A_258] : memref<819200x128xf32, #tpu.memory_space<hbm>> -> memref<128x128xf32, #tpu.memory_space<hbm>>
    %dma_wait3A_260 = tpu.memref_slice %arg12[%dma_wait3A_257] : memref<5x!tpu.dma_semaphore, #tpu.memory_space<semaphore_mem>> -> memref<1x!tpu.dma_semaphore, #tpu.memory_space<semaphore_mem>>
    %dma_wait3A_261 = tpu.memref_squeeze %dma_wait3A_260 : memref<1x!tpu.dma_semaphore, #tpu.memory_space<semaphore_mem>> -> memref<!tpu.dma_semaphore, #tpu.memory_space<semaphore_mem>>
    %dma_wait3A_262 = arith.constant 0 : i32
    %dma_wait3A_263 = tpu.memref_slice %arg4[%mul3A_2, %dma_wait3A_262] : memref<819200x128xf32, #tpu.memory_space<hbm>> -> memref<128x128xf32, #tpu.memory_space<hbm>>
    tpu.wait_dma2 semaphore(%dma_wait3A_261 : memref<!tpu.dma_semaphore, #tpu.memory_space<semaphore_mem>>) src(%arg10 : memref<128x128xf32, #tpu.memory_space<vmem>>) dst(%dma_wait3A_263 : memref<128x128xf32, #tpu.memory_space<hbm>>)
    %dma_start3A_264 = arith.constant 199 : i32
    %dma_start3A_265 = arith.constant 4 : i32
    %dma_start3A_266 = arith.constant 0 : i32
    %dma_start3A_267 = tpu.memref_slice %arg5[%dma_start3A_264, %dma_start3A_266] : memref<200x128xi32, #tpu.memory_space<vmem>> -> memref<1x128xi32, #tpu.memory_space<vmem>>
    %dma_start3A_268 = tpu.memref_squeeze %dma_start3A_267 : memref<1x128xi32, #tpu.memory_space<vmem>> -> memref<128xi32, #tpu.memory_space<vmem>>
    %dma_start3A_269 = arith.constant 0 : i32
    %dma_start3A_270 = arith.constant 0 : i32
    %dma_start3A_271 = tpu.memref_slice %arg3[%dma_start3A_269, %dma_start3A_270] : memref<100000x128xf32, #tpu.memory_space<hbm>> -> memref<100000x128xf32, #tpu.memory_space<hbm>>
    %dma_start3A_272 = tpu.memref_slice %arg11[%dma_start3A_265] : memref<5x!tpu.dma_semaphore, #tpu.memory_space<semaphore_mem>> -> memref<1x!tpu.dma_semaphore, #tpu.memory_space<semaphore_mem>>
    %dma_start3A_273 = tpu.memref_squeeze %dma_start3A_272 : memref<1x!tpu.dma_semaphore, #tpu.memory_space<semaphore_mem>> -> memref<!tpu.dma_semaphore, #tpu.memory_space<semaphore_mem>>
    tpu.enqueue_indirect_dma source(%dma_start3A_271 : memref<100000x128xf32, #tpu.memory_space<hbm>>) target(%arg10 : memref<128x128xf32, #tpu.memory_space<vmem>>) offsets(%dma_start3A_268 : memref<128xi32, #tpu.memory_space<vmem>>) semaphore(%dma_start3A_273 : memref<!tpu.dma_semaphore, #tpu.memory_space<semaphore_mem>>)
    %dma_wait3A_274 = arith.constant 0 : i32
    %dma_wait3A_275 = arith.constant 2 : i32
    %dma_wait3A_276 = arith.constant 0 : i32
    %dma_wait3A_277 = tpu.memref_slice %arg5[%dma_wait3A_274, %dma_wait3A_276] : memref<200x128xi32, #tpu.memory_space<vmem>> -> memref<1x128xi32, #tpu.memory_space<vmem>>
    %dma_wait3A_278 = tpu.memref_squeeze %dma_wait3A_277 : memref<1x128xi32, #tpu.memory_space<vmem>> -> memref<128xi32, #tpu.memory_space<vmem>>
    %dma_wait3A_279 = arith.constant 0 : i32
    %dma_wait3A_280 = arith.constant 0 : i32
    %dma_wait3A_281 = tpu.memref_slice %arg3[%dma_wait3A_279, %dma_wait3A_280] : memref<100000x128xf32, #tpu.memory_space<hbm>> -> memref<100000x128xf32, #tpu.memory_space<hbm>>
    %dma_wait3A_282 = tpu.memref_slice %arg11[%dma_wait3A_275] : memref<5x!tpu.dma_semaphore, #tpu.memory_space<semaphore_mem>> -> memref<1x!tpu.dma_semaphore, #tpu.memory_space<semaphore_mem>>
    %dma_wait3A_283 = tpu.memref_squeeze %dma_wait3A_282 : memref<1x!tpu.dma_semaphore, #tpu.memory_space<semaphore_mem>> -> memref<!tpu.dma_semaphore, #tpu.memory_space<semaphore_mem>>
    tpu.wait_indirect_dma semaphore(%dma_wait3A_283 : memref<!tpu.dma_semaphore, #tpu.memory_space<semaphore_mem>>) src(%dma_wait3A_281 : memref<100000x128xf32, #tpu.memory_space<hbm>>) dst(%arg8 : memref<128x128xf32, #tpu.memory_space<vmem>>)
    %add3A_284 = arith.constant 25216 : i32
    %add3A_285 = arith.addi %mul3A_2, %add3A_284 : i32
    %dma_start3A_286 = arith.constant 2 : i32
    %dma_start3A_287 = arith.constant 0 : i32
    %dma_start3A_288 = tpu.memref_slice %arg4[%add3A_285, %dma_start3A_287] : memref<819200x128xf32, #tpu.memory_space<hbm>> -> memref<128x128xf32, #tpu.memory_space<hbm>>
    %dma_start3A_289 = tpu.memref_slice %arg12[%dma_start3A_286] : memref<5x!tpu.dma_semaphore, #tpu.memory_space<semaphore_mem>> -> memref<1x!tpu.dma_semaphore, #tpu.memory_space<semaphore_mem>>
    %dma_start3A_290 = tpu.memref_squeeze %dma_start3A_289 : memref<1x!tpu.dma_semaphore, #tpu.memory_space<semaphore_mem>> -> memref<!tpu.dma_semaphore, #tpu.memory_space<semaphore_mem>>
    %dma_start3A_291 = arith.constant 0 : i32
    %dma_start3A_292 = tpu.memref_slice %arg4[%add3A_285, %dma_start3A_291] : memref<819200x128xf32, #tpu.memory_space<hbm>> -> memref<128x128xf32, #tpu.memory_space<hbm>>
    tpu.enqueue_dma source(%arg8 : memref<128x128xf32, #tpu.memory_space<vmem>>) target(%dma_start3A_292 : memref<128x128xf32, #tpu.memory_space<hbm>>) target_semaphore(%dma_start3A_290 : memref<!tpu.dma_semaphore, #tpu.memory_space<semaphore_mem>>)
    %dma_wait3A_293 = arith.constant 0 : i32
    %dma_wait3A_294 = arith.constant 3 : i32
    %dma_wait3A_295 = arith.constant 0 : i32
    %dma_wait3A_296 = tpu.memref_slice %arg5[%dma_wait3A_293, %dma_wait3A_295] : memref<200x128xi32, #tpu.memory_space<vmem>> -> memref<1x128xi32, #tpu.memory_space<vmem>>
    %dma_wait3A_297 = tpu.memref_squeeze %dma_wait3A_296 : memref<1x128xi32, #tpu.memory_space<vmem>> -> memref<128xi32, #tpu.memory_space<vmem>>
    %dma_wait3A_298 = arith.constant 0 : i32
    %dma_wait3A_299 = arith.constant 0 : i32
    %dma_wait3A_300 = tpu.memref_slice %arg3[%dma_wait3A_298, %dma_wait3A_299] : memref<100000x128xf32, #tpu.memory_space<hbm>> -> memref<100000x128xf32, #tpu.memory_space<hbm>>
    %dma_wait3A_301 = tpu.memref_slice %arg11[%dma_wait3A_294] : memref<5x!tpu.dma_semaphore, #tpu.memory_space<semaphore_mem>> -> memref<1x!tpu.dma_semaphore, #tpu.memory_space<semaphore_mem>>
    %dma_wait3A_302 = tpu.memref_squeeze %dma_wait3A_301 : memref<1x!tpu.dma_semaphore, #tpu.memory_space<semaphore_mem>> -> memref<!tpu.dma_semaphore, #tpu.memory_space<semaphore_mem>>
    tpu.wait_indirect_dma semaphore(%dma_wait3A_302 : memref<!tpu.dma_semaphore, #tpu.memory_space<semaphore_mem>>) src(%dma_wait3A_300 : memref<100000x128xf32, #tpu.memory_space<hbm>>) dst(%arg9 : memref<128x128xf32, #tpu.memory_space<vmem>>)
    %add3A_303 = arith.constant 25344 : i32
    %add3A_304 = arith.addi %mul3A_2, %add3A_303 : i32
    %dma_start3A_305 = arith.constant 3 : i32
    %dma_start3A_306 = arith.constant 0 : i32
    %dma_start3A_307 = tpu.memref_slice %arg4[%add3A_304, %dma_start3A_306] : memref<819200x128xf32, #tpu.memory_space<hbm>> -> memref<128x128xf32, #tpu.memory_space<hbm>>
    %dma_start3A_308 = tpu.memref_slice %arg12[%dma_start3A_305] : memref<5x!tpu.dma_semaphore, #tpu.memory_space<semaphore_mem>> -> memref<1x!tpu.dma_semaphore, #tpu.memory_space<semaphore_mem>>
    %dma_start3A_309 = tpu.memref_squeeze %dma_start3A_308 : memref<1x!tpu.dma_semaphore, #tpu.memory_space<semaphore_mem>> -> memref<!tpu.dma_semaphore, #tpu.memory_space<semaphore_mem>>
    %dma_start3A_310 = arith.constant 0 : i32
    %dma_start3A_311 = tpu.memref_slice %arg4[%add3A_304, %dma_start3A_310] : memref<819200x128xf32, #tpu.memory_space<hbm>> -> memref<128x128xf32, #tpu.memory_space<hbm>>
    tpu.enqueue_dma source(%arg9 : memref<128x128xf32, #tpu.memory_space<vmem>>) target(%dma_start3A_311 : memref<128x128xf32, #tpu.memory_space<hbm>>) target_semaphore(%dma_start3A_309 : memref<!tpu.dma_semaphore, #tpu.memory_space<semaphore_mem>>)
    %dma_wait3A_312 = arith.constant 0 : i32
    %dma_wait3A_313 = arith.constant 4 : i32
    %dma_wait3A_314 = arith.constant 0 : i32
    %dma_wait3A_315 = tpu.memref_slice %arg5[%dma_wait3A_312, %dma_wait3A_314] : memref<200x128xi32, #tpu.memory_space<vmem>> -> memref<1x128xi32, #tpu.memory_space<vmem>>
    %dma_wait3A_316 = tpu.memref_squeeze %dma_wait3A_315 : memref<1x128xi32, #tpu.memory_space<vmem>> -> memref<128xi32, #tpu.memory_space<vmem>>
    %dma_wait3A_317 = arith.constant 0 : i32
    %dma_wait3A_318 = arith.constant 0 : i32
    %dma_wait3A_319 = tpu.memref_slice %arg3[%dma_wait3A_317, %dma_wait3A_318] : memref<100000x128xf32, #tpu.memory_space<hbm>> -> memref<100000x128xf32, #tpu.memory_space<hbm>>
    %dma_wait3A_320 = tpu.memref_slice %arg11[%dma_wait3A_313] : memref<5x!tpu.dma_semaphore, #tpu.memory_space<semaphore_mem>> -> memref<1x!tpu.dma_semaphore, #tpu.memory_space<semaphore_mem>>
    %dma_wait3A_321 = tpu.memref_squeeze %dma_wait3A_320 : memref<1x!tpu.dma_semaphore, #tpu.memory_space<semaphore_mem>> -> memref<!tpu.dma_semaphore, #tpu.memory_space<semaphore_mem>>
    tpu.wait_indirect_dma semaphore(%dma_wait3A_321 : memref<!tpu.dma_semaphore, #tpu.memory_space<semaphore_mem>>) src(%dma_wait3A_319 : memref<100000x128xf32, #tpu.memory_space<hbm>>) dst(%arg10 : memref<128x128xf32, #tpu.memory_space<vmem>>)
    %add3A_322 = arith.constant 25472 : i32
    %add3A_323 = arith.addi %mul3A_2, %add3A_322 : i32
    %dma_start3A_324 = arith.constant 4 : i32
    %dma_start3A_325 = arith.constant 0 : i32
    %dma_start3A_326 = tpu.memref_slice %arg4[%add3A_323, %dma_start3A_325] : memref<819200x128xf32, #tpu.memory_space<hbm>> -> memref<128x128xf32, #tpu.memory_space<hbm>>
    %dma_start3A_327 = tpu.memref_slice %arg12[%dma_start3A_324] : memref<5x!tpu.dma_semaphore, #tpu.memory_space<semaphore_mem>> -> memref<1x!tpu.dma_semaphore, #tpu.memory_space<semaphore_mem>>
    %dma_start3A_328 = tpu.memref_squeeze %dma_start3A_327 : memref<1x!tpu.dma_semaphore, #tpu.memory_space<semaphore_mem>> -> memref<!tpu.dma_semaphore, #tpu.memory_space<semaphore_mem>>
    %dma_start3A_329 = arith.constant 0 : i32
    %dma_start3A_330 = tpu.memref_slice %arg4[%add3A_323, %dma_start3A_329] : memref<819200x128xf32, #tpu.memory_space<hbm>> -> memref<128x128xf32, #tpu.memory_space<hbm>>
    tpu.enqueue_dma source(%arg10 : memref<128x128xf32, #tpu.memory_space<vmem>>) target(%dma_start3A_330 : memref<128x128xf32, #tpu.memory_space<hbm>>) target_semaphore(%dma_start3A_328 : memref<!tpu.dma_semaphore, #tpu.memory_space<semaphore_mem>>)
    %dma_wait3A_331 = arith.constant 0 : i32
    %dma_wait3A_332 = arith.constant 0 : i32
    %dma_wait3A_333 = tpu.memref_slice %arg4[%mul3A_2, %dma_wait3A_332] : memref<819200x128xf32, #tpu.memory_space<hbm>> -> memref<128x128xf32, #tpu.memory_space<hbm>>
    %dma_wait3A_334 = tpu.memref_slice %arg12[%dma_wait3A_331] : memref<5x!tpu.dma_semaphore, #tpu.memory_space<semaphore_mem>> -> memref<1x!tpu.dma_semaphore, #tpu.memory_space<semaphore_mem>>
    %dma_wait3A_335 = tpu.memref_squeeze %dma_wait3A_334 : memref<1x!tpu.dma_semaphore, #tpu.memory_space<semaphore_mem>> -> memref<!tpu.dma_semaphore, #tpu.memory_space<semaphore_mem>>
    %dma_wait3A_336 = arith.constant 0 : i32
    %dma_wait3A_337 = tpu.memref_slice %arg4[%mul3A_2, %dma_wait3A_336] : memref<819200x128xf32, #tpu.memory_space<hbm>> -> memref<128x128xf32, #tpu.memory_space<hbm>>
    tpu.wait_dma2 semaphore(%dma_wait3A_335 : memref<!tpu.dma_semaphore, #tpu.memory_space<semaphore_mem>>) src(%arg6 : memref<128x128xf32, #tpu.memory_space<vmem>>) dst(%dma_wait3A_337 : memref<128x128xf32, #tpu.memory_space<hbm>>)
    %dma_wait3A_338 = arith.constant 1 : i32
    %dma_wait3A_339 = arith.constant 0 : i32
    %dma_wait3A_340 = tpu.memref_slice %arg4[%mul3A_2, %dma_wait3A_339] : memref<819200x128xf32, #tpu.memory_space<hbm>> -> memref<128x128xf32, #tpu.memory_space<hbm>>
    %dma_wait3A_341 = tpu.memref_slice %arg12[%dma_wait3A_338] : memref<5x!tpu.dma_semaphore, #tpu.memory_space<semaphore_mem>> -> memref<1x!tpu.dma_semaphore, #tpu.memory_space<semaphore_mem>>
    %dma_wait3A_342 = tpu.memref_squeeze %dma_wait3A_341 : memref<1x!tpu.dma_semaphore, #tpu.memory_space<semaphore_mem>> -> memref<!tpu.dma_semaphore, #tpu.memory_space<semaphore_mem>>
    %dma_wait3A_343 = arith.constant 0 : i32
    %dma_wait3A_344 = tpu.memref_slice %arg4[%mul3A_2, %dma_wait3A_343] : memref<819200x128xf32, #tpu.memory_space<hbm>> -> memref<128x128xf32, #tpu.memory_space<hbm>>
    tpu.wait_dma2 semaphore(%dma_wait3A_342 : memref<!tpu.dma_semaphore, #tpu.memory_space<semaphore_mem>>) src(%arg7 : memref<128x128xf32, #tpu.memory_space<vmem>>) dst(%dma_wait3A_344 : memref<128x128xf32, #tpu.memory_space<hbm>>)
    %dma_wait3A_345 = arith.constant 2 : i32
    %dma_wait3A_346 = arith.constant 0 : i32
    %dma_wait3A_347 = tpu.memref_slice %arg4[%mul3A_2, %dma_wait3A_346] : memref<819200x128xf32, #tpu.memory_space<hbm>> -> memref<128x128xf32, #tpu.memory_space<hbm>>
    %dma_wait3A_348 = tpu.memref_slice %arg12[%dma_wait3A_345] : memref<5x!tpu.dma_semaphore, #tpu.memory_space<semaphore_mem>> -> memref<1x!tpu.dma_semaphore, #tpu.memory_space<semaphore_mem>>
    %dma_wait3A_349 = tpu.memref_squeeze %dma_wait3A_348 : memref<1x!tpu.dma_semaphore, #tpu.memory_space<semaphore_mem>> -> memref<!tpu.dma_semaphore, #tpu.memory_space<semaphore_mem>>
    %dma_wait3A_350 = arith.constant 0 : i32
    %dma_wait3A_351 = tpu.memref_slice %arg4[%mul3A_2, %dma_wait3A_350] : memref<819200x128xf32, #tpu.memory_space<hbm>> -> memref<128x128xf32, #tpu.memory_space<hbm>>
    tpu.wait_dma2 semaphore(%dma_wait3A_349 : memref<!tpu.dma_semaphore, #tpu.memory_space<semaphore_mem>>) src(%arg8 : memref<128x128xf32, #tpu.memory_space<vmem>>) dst(%dma_wait3A_351 : memref<128x128xf32, #tpu.memory_space<hbm>>)
    %dma_wait3A_352 = arith.constant 3 : i32
    %dma_wait3A_353 = arith.constant 0 : i32
    %dma_wait3A_354 = tpu.memref_slice %arg4[%mul3A_2, %dma_wait3A_353] : memref<819200x128xf32, #tpu.memory_space<hbm>> -> memref<128x128xf32, #tpu.memory_space<hbm>>
    %dma_wait3A_355 = tpu.memref_slice %arg12[%dma_wait3A_352] : memref<5x!tpu.dma_semaphore, #tpu.memory_space<semaphore_mem>> -> memref<1x!tpu.dma_semaphore, #tpu.memory_space<semaphore_mem>>
    %dma_wait3A_356 = tpu.memref_squeeze %dma_wait3A_355 : memref<1x!tpu.dma_semaphore, #tpu.memory_space<semaphore_mem>> -> memref<!tpu.dma_semaphore, #tpu.memory_space<semaphore_mem>>
    %dma_wait3A_357 = arith.constant 0 : i32
    %dma_wait3A_358 = tpu.memref_slice %arg4[%mul3A_2, %dma_wait3A_357] : memref<819200x128xf32, #tpu.memory_space<hbm>> -> memref<128x128xf32, #tpu.memory_space<hbm>>
    tpu.wait_dma2 semaphore(%dma_wait3A_356 : memref<!tpu.dma_semaphore, #tpu.memory_space<semaphore_mem>>) src(%arg9 : memref<128x128xf32, #tpu.memory_space<vmem>>) dst(%dma_wait3A_358 : memref<128x128xf32, #tpu.memory_space<hbm>>)
    %dma_wait3A_359 = arith.constant 4 : i32
    %dma_wait3A_360 = arith.constant 0 : i32
    %dma_wait3A_361 = tpu.memref_slice %arg4[%mul3A_2, %dma_wait3A_360] : memref<819200x128xf32, #tpu.memory_space<hbm>> -> memref<128x128xf32, #tpu.memory_space<hbm>>
    %dma_wait3A_362 = tpu.memref_slice %arg12[%dma_wait3A_359] : memref<5x!tpu.dma_semaphore, #tpu.memory_space<semaphore_mem>> -> memref<1x!tpu.dma_semaphore, #tpu.memory_space<semaphore_mem>>
    %dma_wait3A_363 = tpu.memref_squeeze %dma_wait3A_362 : memref<1x!tpu.dma_semaphore, #tpu.memory_space<semaphore_mem>> -> memref<!tpu.dma_semaphore, #tpu.memory_space<semaphore_mem>>
    %dma_wait3A_364 = arith.constant 0 : i32
    %dma_wait3A_365 = tpu.memref_slice %arg4[%mul3A_2, %dma_wait3A_364] : memref<819200x128xf32, #tpu.memory_space<hbm>> -> memref<128x128xf32, #tpu.memory_space<hbm>>
    tpu.wait_dma2 semaphore(%dma_wait3A_363 : memref<!tpu.dma_semaphore, #tpu.memory_space<semaphore_mem>>) src(%arg10 : memref<128x128xf32, #tpu.memory_space<vmem>>) dst(%dma_wait3A_365 : memref<128x128xf32, #tpu.memory_space<hbm>>)
    return
  }
}

</mosaic_0001>

<sc_bundles>
// kernel: kernel.3.cloned.1.call-start
scs
__scs_entry_jumppad:
0x0: {  	(pc) =	sbr.rel $0x88, $3  }
0x1: {  	(tag) =	ssettag $0x0;
	lr =	simm.s32 $0x1  }
0x2: {  	[smem:$0x3F9F] =	sst lr;
	_ =	strace $0xD0000000  }
0x3: {  	_ = 	snop  }
0x4: {  	_ = 	snop  }
0x5: {  	_ = 	snop  }
0x6: {  	_ = 	snop  }
0x7: {  	_ = 	snop  }
__scs_overlays_trampoline_lowered:
0x8: {  	[smem:$0x3FAE] =	sst s0  }
0x9: {  	[smem:$0x3FAF] =	sst s1  }
0xa: {  	[smem:$0x3FB0] =	sst s2  }
0xb: {  	[smem:$0x3FB1] =	sst s3  }
0xc: {  	[smem:$0x3FB2] =	sst s4  }
0xd: {  	[smem:$0x3FB3] =	sst s5  }
0xe: {  	[smem:$0x3FB4] =	sst s6  }
0xf: {  	[smem:$0x3FB5] =	sst s7  }
0x10: {  	[smem:$0x3FB6] =	sst s8  }
0x11: {  	[smem:$0x3FB7] =	sst s9;
	s0 =	simm.s32 @!p0 $0x0  }
0x12: {  	s1 =	sld [smem:$0x3F9D];
	s0 =	simm.s32 @p0 $0x1  }
0x13: {  	[smem:$0x3FB8] =	sst s0;
	s0 =	simm.s32 @!p1 $0x0  }
0x14: {  	s2 =	sld [smem:$0x3F9C];
	s0 =	simm.s32 @p1 $0x1  }
0x15: {  	[smem:$0x3FB9] =	sst s0;
	s0 =	simm.s32 @!p2 $0x0  }
0x16: {  	s3 =	sld [smem:$0x3FDB];
	s0 =	simm.s32 @p2 $0x1  }
0x17: {  	s4 =	simm.s32 $0x1BF5;
	[smem:$0x3FBB] =	sst s0  }
0x18: {  	s0 =	sld [smem:$0x3F9E];
	_ =	swait.ge [sflag:s4], $0x0  }
0x19: {  	s7 =	sld [smem:$0x3F9F]  }
0x1a: {  	s8 =	sadd.s32 $0xFFFFE003, lr  }
0x1b: {  	s9 =	sadd.s32 $0xFFFFFEF7, lr;
	s5 =	simm.s32 $0xFFFFFFFF;
	p2 =	slt.u32 s8, $0xFFFFF086  }
0x1c: {  	p1 =	slt.u32 s9, $0xF7A;
	s5 =	simm.s32 @!p2 $0x0  }
0x1d: {  	s5 =	simm.s32 @p1 $0x1;
	p0 =	seq.s32 s7, s2  }
0x1e: {  	s7 =	smul.u32 @!p0 $0xF7A, s2;
	p2 =	seq.s32 @!p0 s5, $0x0  }
0x1f: {  	s9 =	smul.u32 $0xF7A, s1;
	s8 =	simm.s32 @!p0 $0x1BF5;
	p2 =	por !p2, p0  }
0x20: {  	[sflag:s8] =	ssyncset.s32 @!p0 $0xFFFFF086;
	s6 =	sadd.s32 @!p0 s3, s7;
	s7 =	simm.s32 @!p0 $0x108  }
0x21: {  	s3 =	sadd.s32 s3, s9;
	s6 =	sadd.s32 @!p0 $0x88, s6;
	s7 =	simm.s32 @p2 $0x1082  }
0x22: {  	[simem:s7], [sflag:s8] =	dma.local @!p0 [hbm:s6], $0xF7A  }
0x23: {  	s9 =	sor.u32 $0xD0000000, s2;
	s6 =	simm.s32 $0x108;
	_ =	swait.ge @!p0 [sflag:s8], $0x0  }
0x24: {  	s3 =	sadd.s32 $0x88, s3;
	s6 =	simm.s32 @!p1 $0x1082;
	[sflag:s4] =	ssyncset.s32 $0xFFFFF086  }
0x25: {  	[simem:s6], [sflag:s4] =	dma.local [hbm:s3], $0xF7A  }
0x26: {  	[smem:$0x3F9F] =	sst s1;
	(tag) =	ssettag s2;
	_ =	strace s9  }
0x27: {  	s1 =	sld [smem:$0x3FAF]  }
0x28: {  	s2 =	sld [smem:$0x3FB0]  }
0x29: {  	s4 =	sld [smem:$0x3FB2]  }
0x2a: {  	p0 =	seq.s32 s5, $0x0;
	s5 =	sld [smem:$0x3FB3]  }
0x2b: {  	s6 =	sld [smem:$0x3FB4]  }
0x2c: {  	s7 =	sld [smem:$0x3FB5]  }
0x2d: {  	s3 =	simm.s32 $0x108;
	s8 =	sld [smem:$0x3FB6]  }
0x2e: {  	s3 =	simm.s32 @!p0 $0x1082;
	s9 =	sld [smem:$0x3FB7]  }
0x2f: {  	lr =	sadd.s32 s0, s3;
	s0 =	sld [smem:$0x3FAE]  }
0x30: {  	s3 =	sld [smem:$0x3FB1]  }
0x31: {  	[smem:$0x3FBA] =	sst s10  }
0x32: {  	s10 =	sld [smem:$0x3FB8];
	_ =	sdelay $0x3  }
0x33: {  	p0 =	seq.s32 s10, $0x1;
	s10 =	sld [smem:$0x3FBA];
	_ =	sdelay $0x3  }
0x34: {  	[smem:$0x3FBA] =	sst s10  }
0x35: {  	s10 =	sld [smem:$0x3FB9];
	_ =	sdelay $0x3  }
0x36: {  	p1 =	seq.s32 s10, $0x1;
	s10 =	sld [smem:$0x3FBA];
	_ =	sdelay $0x3  }
0x37: {  	[smem:$0x3FBA] =	sst s10  }
0x38: {  	s10 =	sld [smem:$0x3FBB]  }
0x39: {  	_ = 	snop;
	(pc) =	sbr.ind lr, $3  }
0x3a: {  	_ = 	snop  }
0x3b: {  	_ = 	snop  }
0x3c: {  	p2 =	seq.s32 s10, $0x1;
	s10 =	sld [smem:$0x3FBA]  }
0x3d: {  	_ =	shalt  }
0x3e: {  	_ =	shalt  }
0x3f: {  	_ =	shalt  }
0x40: {  	_ =	shalt  }
0x41: {  	_ =	shalt  }
0x42: {  	_ =	shalt  }
0x43: {  	_ =	shalt  }
0x44: {  	_ =	shalt  }
0x45: {  	_ =	shalt  }
0x46: {  	_ =	shalt  }
0x47: {  	_ =	shalt  }
0x48: {  	_ =	shalt  }
0x49: {  	_ =	shalt  }
0x4a: {  	_ =	shalt  }
0x4b: {  	_ =	shalt  }
0x4c: {  	_ =	shalt  }
0x4d: {  	_ =	shalt  }
0x4e: {  	_ =	shalt  }
0x4f: {  	_ =	shalt  }
0x50: {  	_ =	shalt  }
0x51: {  	_ =	shalt  }
0x52: {  	_ =	shalt  }
0x53: {  	_ =	shalt  }
0x54: {  	_ =	shalt  }
0x55: {  	_ =	shalt  }
0x56: {  	_ =	shalt  }
0x57: {  	_ =	shalt  }
0x58: {  	_ =	shalt  }
0x59: {  	_ =	shalt  }
0x5a: {  	_ =	shalt  }
0x5b: {  	_ =	shalt  }
0x5c: {  	_ =	shalt  }
0x5d: {  	_ =	shalt  }
0x5e: {  	_ =	shalt  }
0x5f: {  	_ =	shalt  }
0x60: {  	_ =	shalt  }
0x61: {  	_ =	shalt  }
0x62: {  	_ =	shalt  }
0x63: {  	_ =	shalt  }
0x64: {  	_ =	shalt  }
0x65: {  	_ =	shalt  }
0x66: {  	_ =	shalt  }
0x67: {  	_ =	shalt  }
0x68: {  	_ =	shalt  }
0x69: {  	_ =	shalt  }
0x6a: {  	_ =	shalt  }
0x6b: {  	_ =	shalt  }
0x6c: {  	_ =	shalt  }
0x6d: {  	_ =	shalt  }
0x6e: {  	_ =	shalt  }
0x6f: {  	_ =	shalt  }
0x70: {  	_ =	shalt  }
0x71: {  	_ =	shalt  }
0x72: {  	_ =	shalt  }
0x73: {  	_ =	shalt  }
0x74: {  	_ =	shalt  }
0x75: {  	_ =	shalt  }
0x76: {  	_ =	shalt  }
0x77: {  	_ =	shalt  }
0x78: {  	_ =	shalt  }
0x79: {  	_ =	shalt  }
0x7a: {  	_ =	shalt  }
0x7b: {  	_ =	shalt  }
0x7c: {  	_ =	shalt  }
0x7d: {  	_ =	shalt  }
0x7e: {  	_ =	shalt  }
0x7f: {  	_ =	shalt  }
0x80: {  	_ =	shalt  }
0x81: {  	_ =	shalt  }
0x82: {  	_ =	shalt  }
0x83: {  	_ =	shalt  }
0x84: {  	_ =	shalt  }
0x85: {  	_ =	shalt  }
0x86: {  	_ =	shalt  }
0x87: {  	_ =	shalt  }
.Lfunc_end0:
.L_simem_size_0:
called_computation_lowered:
.L_overlay_start_0:
0x88: {  	s2 =	sld [smem:$0x3FD9]  }
0x89: {  	s3 =	sld [smem:$0x3FFE];
	_ =	sdelay $0x1  }
0x8a: {  	s1 =	srdreg.scid  }
0x8b: {  	s0 =	sand.u32 $0x1, s1  }
0x8c: {  	s17 =	sshll.u32 s0, $0xA;
	s2 =	sadd.s32 s3, s2  }
0x8d: {  	s2 =	sadd.s32 s2, s17  }
0x8e: {  	[smem:$0x3FC6] =	sst s2  }
0x8f: {  	_ = 	snop  }
0x90: {  	s2 =	sld [smem:$0x3FC8]  }
0x91: {  	s18 =	sld [smem:$0x3FD0];
	(tm) =	ssettm $0x1  }
0x92: {  	s4 =	sld [smem:$0x3FFB];
	_ =	sdelay $0x3  }
0x93: {  	_ =	strace s4  }
0x94: {  	s4 =	sld [smem:$0x3FFC];
	_ =	sdelay $0x3  }
0x95: {  	_ =	strace s4  }
0x96: {  	s4 =	sld [smem:$0x3FFD];
	_ =	sdelay $0x3  }
0x97: {  	_ =	strace s4  }
0x98: {  	_ =	strace $0x8FFFFFFF  }
0x99: {  	s19 =	sld [smem:$0x3FDB];
	_ =	sdelay $0x1  }
0x9a: {  	s5 =	simm.s32 $_scs_section_size  }
0x9b: {  	s6 =	simm.s32 $_size__tile_overlayer_lowered;
	s7 =	simm.s32 $_tile_overlayer_lowered  }
0x9c: {  	s22 =	simm.s32 $0x1BFF;
	s21 =	sshll.u32 s7, $0x1;
	s4 =	sadd.s32 s5, s19  }
0x9d: {  	s8 =	simm.s32 $0x0;
	s20 =	sshll.u32 s6, $0x1;
	s6 =	sadd.s32 s21, s4  }
0x9e: {  	[timem:s8], [sflag:s22] =	dma.local [hbm:s6], s20  }
0x9f: {  	_ =	swait.ge [sflag:s22], s20  }
0xa0: {  	s5 =	ssub.s32 $0x0, s20;
	[sflag:s22] =	ssyncset.done $0x0  }
0xa1: {  	[sflag:s22] =	ssyncadd.s32 s5;
	_ =	sdelay $0x1  }
0xa2: {  	s23 =	simm.s32 $0x1B8B  }
0xa3: {  	_ =	swait.ge [sflag:s23], $0x1  }
0xa4: {  	[sflag:s23] =	ssyncset.done $0x0  }
0xa5: {  	s25 =	simm.s32 $0x1B8E;
	s24 =	sld [smem:$0x3FFE];
	[sflag:s23] =	ssyncadd.s32 $0xFFFFFFFF  }
0xa6: {  	s26 =	simm.s32 $execute0_lowered;
	[smem:$0x3FD2] =	sst s25  }
0xa7: {  	s6 =	sshll.u32 s26, $0x1;
	_ =	strace $0x80000046;
	[dreg:$0x1] =	wrdreg $0xFFFFFFFF  }
0xa8: {  	s28 =	simm.s32 $_size_execute0_lowered;
	s4 =	sadd.s32 s4, s6;
	[dreg:$0x0] =	wrdreg $0x0  }
0xa9: {  	s6 =	sshll.u32 s28, $0x1;
	[dreg:$0x2] =	wrdreg s4  }
0xaa: {  	[dreg:$0x3] =	wrdreg s6  }
0xab: {  	[dreg:$0x4] =	wrdreg $0xC0  }
0xac: {  	_ =	task [dreg:s8], $0x5FFFF  }
0xad: {  	[dreg:$0x1] =	wrdreg $0xFFFFFFFF  }
0xae: {  	[dreg:$0x0] =	wrdreg $0x60  }
0xaf: {  	[dreg:$0x2] =	wrdreg s24  }
0xb0: {  	[dreg:$0x3] =	wrdreg s2  }
0xb1: {  	[dreg:$0x4] =	wrdreg s18  }
0xb2: {  	[dreg:$0x5] =	wrdreg $0x9  }
0xb3: {  	_ =	task.clear_ibuf [dreg:s8], $0x6FFFF;
	_ =	strace $0x90000046  }
0xb4: {  	s29 =	simm.s32 $0x9;
	_ =	strace $0x80000048  }
0xb5: {  	_ =	swait.ge [sflag:s29], $0x1  }
0xb6: {  	[sflag:s29] =	ssyncadd.s32 $0xFFFFFFFF  }
0xb7: {  	_ =	strace $0x90000048  }
0xb8: {  	_ =	sfence  }
0xb9: {  	s30 =	sld [smem:$0x0];
	_ =	sdelay $0x2  }
0xba: {  	s31 =	sshll.u32 s1, $0xD;
	s1 =	sshrl.u32 s1, $0x2  }
0xbb: {  	s3 =	sand.u32 $0x4000, s31;
	s1 =	sadd.s32 s1, s30  }
0xbc: {  	s0 =	sor.u32 s3, s0;
	s1 =	sshll.u32 s1, $0x11  }
0xbd: {  	s0 =	sor.u32 s1, s0  }
0xbe: {  	s0 =	sadd.s32 $0x8F2B, s0  }
0xbf: {  	[sflag:s0] =	ssyncadd.remote.s32 $0x1  }
0xc0: {  	_ =	sfence.sel $0xFFFF  }
0xc1: {  	[dreg:$0x0] =	wrdreg $0xFFFFFFFF;
	(pc) =	sbr.abs _section_cstart, $3  }
0xc2: {  	[dreg:$0x1] =	wrdreg $0xFFFFFFFF  }
0xc3: {  	_ =	task.clear_ibuf [dreg:s8], $0x2FFFF;
	_ =	strace $0x9FFFFFFF  }
0xc4: {  	(tm) =	ssettm $0x7FFFFFFF  }
0xc5: {  	_ =	shalt  }
tec
execute0_lowered:
.L_overlay_start_1:
0x0: {  	(tag) =	ssettag $0x1  }
0x1: {  	s1 =	rddreg [dreg:$0x0]  }
0x2: {  	s0 =	srdreg.scid;
	s2 =	rddreg [dreg:$0x1]  }
0x3: {  	s10 =	stileid.u32;
	s6 =	rddreg [dreg:$0x2]  }
0x4: {  	s17 =	simm.s32 $0xB;
	s18 =	simm.s32 $0x80;
	s29 =	simm.s32 $0x16400  }
0x5: {  	s0 =	sand.u32 $0x1, s0;
	s3 =	sshll.u32 s10, $0x1;
	s25 =	smul.u32 $0xC8000, s10  }
0x6: {  	s5 =	sor.u32 s0, s3;
	s8 =	ssub.s32 $0x2, s0;
	s0 =	smul.u32 $0x64000, s0  }
0x7: {  	s30 =	simm.s32 $0x3;
	s31 =	simm.s32 $0x6;
	s4 =	smul.u32 $0x6400, s5  }
0x8: {  	s28 =	simm.s32 $0x5;
	s3 =	simm.s32 $0x0;
	s7 =	smul.u32 $0x64000, s5  }
0x9: {  	[smem:$0x7FF] =	sst s3;
	s9 =	sshrl.u32 s8, $0x1;
	s5 =	smul.u32 $0x320000, s5  }
0xa: {  	_ =	strace $0x80000047;
	s19 =	ssub.s32 s8, s9;
	s4 =	sshrl.u32 s4, $0x3  }
0xb: {  	s23 =	sshrl.u32 s5, $0x3;
	s5 =	sadd.s32 s25, s6;
	s1 =	sadd.s32 s4, s1  }
0xc: {  	s15 =	smax.u32 s19, $0x1;
	s4 =	sadd.s32 s6, s7;
	s1 =	sadd.s32 $0x400, s1  }
0xd: {  	s19 =	simm.s32 $0x6400;
	s20 =	sadd.s32 $0x800, s4;
	[dreg:$0x4] =	wrdreg s1  }
0xe: {  	s25 =	simm.s32 $0x12400;
	s21 =	sadd.s32 $0x1000, s4;
	[dreg:$0x5] =	wrdreg s20  }
0xf: {  	s0 =	sadd.s32 s0, s5;
	s22 =	sadd.s32 $0x1800, s4;
	[dreg:$0x6] =	wrdreg s21  }
0x10: {  	s5 =	simm.s32 $0xA;
	s24 =	sadd.s32 $0x2000, s4;
	[dreg:$0x7] =	wrdreg s22  }
0x11: {  	s16 =	sadd.s32 $0x4800, s0;
	s0 =	simm.s32 $0x4;
	[dreg:$0x8] =	wrdreg s24  }
0x12: {  	s1 =	sadd.s32 s6, s23;
	s20 =	simm.s32 $0xA400;
	s22 =	simm.s32 $0xE400  }
0x13: {  	s23 =	simm.s32 $0x1;
	s21 =	simm.s32 $0x7;
	s24 =	simm.s32 $0x9  }
0x14: {  	s6 =	simm.s32 $0x0;
	s26 =	sadd.s32 $0x61800, s1;
	s11 =	sadd.s32 $0x62000, s1  }
0x15: {  	s12 =	sadd.s32 $0x62800, s1;
	s13 =	sadd.s32 $0x63000, s1;
	s14 =	sadd.s32 $0x63800, s1  }
0x16: {  	s1 =	simm.s32 $0x8;
	[dreg:$0x9] =	wrdreg s26;
	s26 =	simm.s32 $0x2  }
.LBB2_1:
0x17: {  	s7 =	rddreg [dreg:$0x4]  }
0x18: {  	[tilespmem:s3], [sflag:$0xB] =	stream.linear.gather [hbm4b:s7+s3], $0x6400, $0x38;
	[tilespmem:$0x1A400] =	vst v63  }
0x19: {  	_ =	swait.ge [sflag:s17], $0x6400  }
0x1a: {  	[sflag:s17] =	ssyncset.done $0x0  }
0x1b: {  	[sflag:s17] =	ssyncadd.s32 $0xFFFF9C00  }
0x1c: {  	[tilespmem:s19], [sflag:$0x1] =	stream.indirect.gather [hbm4b:s2+s18], $0x80, s3, s18, $0xb8;
	[tilespmem:$0x1A400] =	vst v63  }
0x1d: {  	_ = 	snop  }
0x1e: {  	[tilespmem:s20], [sflag:$0x2] =	stream.indirect.gather [hbm4b:s2+s18], $0x80, s18, s18, $0xb8;
	[tilespmem:$0x1A400] =	vst v63  }
0x1f: {  	s8 =	simm.s32 $0x100  }
0x20: {  	[tilespmem:s22], [sflag:$0x3] =	stream.indirect.gather [hbm4b:s2+s18], $0x80, s8, s18, $0xb8;
	[tilespmem:$0x1A400] =	vst v63  }
0x21: {  	_ =	swait.ge [sflag:s23], $0x4000  }
0x22: {  	[sflag:s23] =	ssyncset.done $0x0  }
0x23: {  	[sflag:s23] =	ssyncadd.s32 $0xFFFFC000  }
0x24: {  	[hbm4b:s4+s3] =	stream.linear.scatter [tilespmem:s19], [sflag:$0x6], $0x4000, $0x38;
	[tilespmem:$0x1A400] =	vst v63  }
0x25: {  	s9 =	simm.s32 $0x180  }
0x26: {  	[tilespmem:s25], [sflag:$0x4] =	stream.indirect.gather [hbm4b:s2+s18], $0x80, s9, s18, $0xb8;
	[tilespmem:$0x1A400] =	vst v63  }
0x27: {  	_ =	swait.ge [sflag:s26], $0x4000  }
0x28: {  	[sflag:s26] =	ssyncset.done $0x0  }
0x29: {  	s10 =	rddreg [dreg:$0x5];
	[sflag:s26] =	ssyncadd.s32 $0xFFFFC000  }
0x2a: {  	[hbm4b:s10+s3] =	stream.linear.scatter [tilespmem:s20], [sflag:$0x7], $0x4000, $0x38;
	[tilespmem:$0x1A400] =	vst v63  }
0x2b: {  	s8 =	simm.s32 $0x200  }
0x2c: {  	[tilespmem:s29], [sflag:$0x5] =	stream.indirect.gather [hbm4b:s2+s18], $0x80, s8, s18, $0xb8;
	[tilespmem:$0x1A400] =	vst v63  }
0x2d: {  	_ =	swait.ge [sflag:s30], $0x4000  }
0x2e: {  	[sflag:s30] =	ssyncset.done $0x0  }
0x2f: {  	s9 =	rddreg [dreg:$0x6];
	[sflag:s30] =	ssyncadd.s32 $0xFFFFC000  }
0x30: {  	[hbm4b:s9+s3] =	stream.linear.scatter [tilespmem:s22], [sflag:$0x8], $0x4000, $0x38;
	[tilespmem:$0x1A400] =	vst v63  }
0x31: {  	_ =	swait.ge [sflag:s31], $0x4000  }
0x32: {  	[sflag:s31] =	ssyncset.done $0x0  }
0x33: {  	s10 =	simm.s32 $0x280;
	[sflag:s31] =	ssyncadd.s32 $0xFFFFC000  }
0x34: {  	[tilespmem:s19], [sflag:$0x1] =	stream.indirect.gather [hbm4b:s2+s18], $0x80, s10, s18, $0xb8;
	[tilespmem:$0x1A400] =	vst v63  }
0x35: {  	_ =	swait.ge [sflag:s0], $0x4000  }
0x36: {  	[sflag:s0] =	ssyncset.done $0x0  }
0x37: {  	s8 =	rddreg [dreg:$0x7];
	[sflag:s0] =	ssyncadd.s32 $0xFFFFC000  }
0x38: {  	[hbm4b:s8+s3] =	stream.linear.scatter [tilespmem:s25], [sflag:$0x9], $0x4000, $0x38;
	[tilespmem:$0x1A400] =	vst v63  }
0x39: {  	_ =	swait.ge [sflag:s21], $0x4000  }
0x3a: {  	[sflag:s21] =	ssyncset.done $0x0  }
0x3b: {  	s9 =	simm.s32 $0x300;
	[sflag:s21] =	ssyncadd.s32 $0xFFFFC000  }
0x3c: {  	[tilespmem:s20], [sflag:$0x2] =	stream.indirect.gather [hbm4b:s2+s18], $0x80, s9, s18, $0xb8;
	[tilespmem:$0x1A400] =	vst v63  }
0x3d: {  	_ =	swait.ge [sflag:s28], $0x4000  }
0x3e: {  	[sflag:s28] =	ssyncset.done $0x0  }
0x3f: {  	s10 =	rddreg [dreg:$0x8];
	[sflag:s28] =	ssyncadd.s32 $0xFFFFC000  }
0x40: {  	[hbm4b:s10+s3] =	stream.linear.scatter [tilespmem:s29], [sflag:$0xA], $0x4000, $0x38;
	[tilespmem:$0x1A400] =	vst v63  }
0x41: {  	_ =	swait.ge [sflag:s1], $0x4000  }
0x42: {  	[sflag:s1] =	ssyncset.done $0x0  }
0x43: {  	s8 =	simm.s32 $0x380;
	[sflag:s1] =	ssyncadd.s32 $0xFFFFC000  }
0x44: {  	[tilespmem:s22], [sflag:$0x3] =	stream.indirect.gather [hbm4b:s2+s18], $0x80, s8, s18, $0xb8;
	[tilespmem:$0x1A400] =	vst v63  }
0x45: {  	_ =	swait.ge [sflag:s23], $0x4000  }
0x46: {  	[sflag:s23] =	ssyncset.done $0x0  }
0x47: {  	s9 =	sadd.s32 $0xFFFFE000, s16;
	[sflag:s23] =	ssyncadd.s32 $0xFFFFC000  }
0x48: {  	[hbm4b:s9+s3] =	stream.linear.scatter [tilespmem:s19], [sflag:$0x6], $0x4000, $0x38;
	[tilespmem:$0x1A400] =	vst v63  }
0x49: {  	_ =	swait.ge [sflag:s24], $0x4000  }
0x4a: {  	[sflag:s24] =	ssyncset.done $0x0  }
0x4b: {  	s10 =	simm.s32 $0x400;
	[sflag:s24] =	ssyncadd.s32 $0xFFFFC000  }
0x4c: {  	[tilespmem:s25], [sflag:$0x4] =	stream.indirect.gather [hbm4b:s2+s18], $0x80, s10, s18, $0xb8;
	[tilespmem:$0x1A400] =	vst v63  }
0x4d: {  	_ =	swait.ge [sflag:s26], $0x4000  }
0x4e: {  	[sflag:s26] =	ssyncset.done $0x0  }
0x4f: {  	s8 =	sadd.s32 $0xFFFFE800, s16;
	[sflag:s26] =	ssyncadd.s32 $0xFFFFC000  }
0x50: {  	[hbm4b:s8+s3] =	stream.linear.scatter [tilespmem:s20], [sflag:$0x7], $0x4000, $0x38;
	[tilespmem:$0x1A400] =	vst v63  }
0x51: {  	_ =	swait.ge [sflag:s5], $0x4000  }
0x52: {  	[sflag:s5] =	ssyncset.done $0x0  }
0x53: {  	s9 =	simm.s32 $0x480;
	[sflag:s5] =	ssyncadd.s32 $0xFFFFC000  }
0x54: {  	[tilespmem:s29], [sflag:$0x5] =	stream.indirect.gather [hbm4b:s2+s18], $0x80, s9, s18, $0xb8;
	[tilespmem:$0x1A400] =	vst v63  }
0x55: {  	_ =	swait.ge [sflag:s30], $0x4000  }
0x56: {  	[sflag:s30] =	ssyncset.done $0x0  }
0x57: {  	s10 =	sadd.s32 $0xFFFFF000, s16;
	[sflag:s30] =	ssyncadd.s32 $0xFFFFC000  }
0x58: {  	[hbm4b:s10+s3] =	stream.linear.scatter [tilespmem:s22], [sflag:$0x8], $0x4000, $0x38;
	[tilespmem:$0x1A400] =	vst v63  }
0x59: {  	_ =	swait.ge [sflag:s31], $0x4000  }
0x5a: {  	[sflag:s31] =	ssyncset.done $0x0  }
0x5b: {  	s8 =	simm.s32 $0x500;
	[sflag:s31] =	ssyncadd.s32 $0xFFFFC000  }
0x5c: {  	[tilespmem:s19], [sflag:$0x1] =	stream.indirect.gather [hbm4b:s2+s18], $0x80, s8, s18, $0xb8;
	[tilespmem:$0x1A400] =	vst v63  }
0x5d: {  	_ =	swait.ge [sflag:s0], $0x4000  }
0x5e: {  	[sflag:s0] =	ssyncset.done $0x0  }
0x5f: {  	s9 =	sadd.s32 $0xFFFFF800, s16;
	[sflag:s0] =	ssyncadd.s32 $0xFFFFC000  }
0x60: {  	[hbm4b:s9+s3] =	stream.linear.scatter [tilespmem:s25], [sflag:$0x9], $0x4000, $0x38;
	[tilespmem:$0x1A400] =	vst v63  }
0x61: {  	_ =	swait.ge [sflag:s21], $0x4000  }
0x62: {  	[sflag:s21] =	ssyncset.done $0x0  }
0x63: {  	s10 =	simm.s32 $0x580;
	[sflag:s21] =	ssyncadd.s32 $0xFFFFC000  }
0x64: {  	[tilespmem:s20], [sflag:$0x2] =	stream.indirect.gather [hbm4b:s2+s18], $0x80, s10, s18, $0xb8;
	[tilespmem:$0x1A400] =	vst v63  }
0x65: {  	_ =	swait.ge [sflag:s28], $0x4000  }
0x66: {  	[sflag:s28] =	ssyncset.done $0x0  }
0x67: {  	[sflag:s28] =	ssyncadd.s32 $0xFFFFC000  }
0x68: {  	[hbm4b:s16+s3] =	stream.linear.scatter [tilespmem:s29], [sflag:$0xA], $0x4000, $0x38;
	[tilespmem:$0x1A400] =	vst v63  }
0x69: {  	_ =	swait.ge [sflag:s1], $0x4000  }
0x6a: {  	s7 =	simm.s32 $0xA00;
	[sflag:s1] =	ssyncset.done $0x0  }
0x6b: {  	s8 =	sadd.s32 $0x2800, s16;
	s9 =	simm.s32 $0x600;
	[sflag:s1] =	ssyncadd.s32 $0xFFFFC000  }
.LBB2_2:
0x6c: {  	[tilespmem:s22], [sflag:$0x3] =	stream.indirect.gather [hbm4b:s2+s18], $0x80, s9, s18, $0xb8;
	[tilespmem:$0x1A400] =	vst v63  }
0x6d: {  	s9 =	smov.u32 s7  }
0x6e: {  	p0 =	sne.s32 s7, $0x17200;
	s7 =	sadd.s32 $0xA00, s7;
	_ =	swait.ge [sflag:s23], $0x4000  }
0x6f: {  	[sflag:s23] =	ssyncset.done $0x0  }
0x70: {  	s10 =	sadd.s32 $0xFFFFE000, s8;
	[sflag:s23] =	ssyncadd.s32 $0xFFFFC000  }
0x71: {  	[hbm4b:s10+s3] =	stream.linear.scatter [tilespmem:s19], [sflag:$0x6], $0x4000, $0x38;
	[tilespmem:$0x1A400] =	vst v63  }
0x72: {  	_ =	swait.ge [sflag:s24], $0x4000  }
0x73: {  	s9 =	sshra.s32 s9, $0x2;
	[sflag:s24] =	ssyncset.done $0x0  }
0x74: {  	s10 =	sadd.s32 $0x400, s9;
	[sflag:s24] =	ssyncadd.s32 $0xFFFFC000  }
0x75: {  	[tilespmem:s25], [sflag:$0x4] =	stream.indirect.gather [hbm4b:s2+s18], $0x80, s10, s18, $0xb8;
	[tilespmem:$0x1A400] =	vst v63  }
0x76: {  	_ =	swait.ge [sflag:s26], $0x4000  }
0x77: {  	[sflag:s26] =	ssyncset.done $0x0  }
0x78: {  	s10 =	sadd.s32 $0xFFFFE800, s8;
	[sflag:s26] =	ssyncadd.s32 $0xFFFFC000  }
0x79: {  	[hbm4b:s10+s3] =	stream.linear.scatter [tilespmem:s20], [sflag:$0x7], $0x4000, $0x38;
	[tilespmem:$0x1A400] =	vst v63  }
0x7a: {  	_ =	swait.ge [sflag:s5], $0x4000  }
0x7b: {  	[sflag:s5] =	ssyncset.done $0x0  }
0x7c: {  	s10 =	sadd.s32 $0x480, s9;
	[sflag:s5] =	ssyncadd.s32 $0xFFFFC000  }
0x7d: {  	[tilespmem:s29], [sflag:$0x5] =	stream.indirect.gather [hbm4b:s2+s18], $0x80, s10, s18, $0xb8;
	[tilespmem:$0x1A400] =	vst v63  }
0x7e: {  	_ =	swait.ge [sflag:s30], $0x4000  }
0x7f: {  	[sflag:s30] =	ssyncset.done $0x0  }
0x80: {  	s10 =	sadd.s32 $0xFFFFF000, s8;
	[sflag:s30] =	ssyncadd.s32 $0xFFFFC000  }
0x81: {  	[hbm4b:s10+s3] =	stream.linear.scatter [tilespmem:s22], [sflag:$0x8], $0x4000, $0x38;
	[tilespmem:$0x1A400] =	vst v63  }
0x82: {  	_ =	swait.ge [sflag:s31], $0x4000  }
0x83: {  	[sflag:s31] =	ssyncset.done $0x0  }
0x84: {  	s10 =	sadd.s32 $0x500, s9;
	[sflag:s31] =	ssyncadd.s32 $0xFFFFC000  }
0x85: {  	[tilespmem:s19], [sflag:$0x1] =	stream.indirect.gather [hbm4b:s2+s18], $0x80, s10, s18, $0xb8;
	[tilespmem:$0x1A400] =	vst v63  }
0x86: {  	_ =	swait.ge [sflag:s0], $0x4000  }
0x87: {  	[sflag:s0] =	ssyncset.done $0x0  }
0x88: {  	s10 =	sadd.s32 $0xFFFFF800, s8;
	[sflag:s0] =	ssyncadd.s32 $0xFFFFC000  }
0x89: {  	[hbm4b:s10+s3] =	stream.linear.scatter [tilespmem:s25], [sflag:$0x9], $0x4000, $0x38;
	[tilespmem:$0x1A400] =	vst v63  }
0x8a: {  	_ =	swait.ge [sflag:s21], $0x4000  }
0x8b: {  	[sflag:s21] =	ssyncset.done $0x0  }
0x8c: {  	s10 =	sadd.s32 $0x580, s9;
	[sflag:s21] =	ssyncadd.s32 $0xFFFFC000  }
0x8d: {  	[tilespmem:s20], [sflag:$0x2] =	stream.indirect.gather [hbm4b:s2+s18], $0x80, s10, s18, $0xb8;
	[tilespmem:$0x1A400] =	vst v63  }
0x8e: {  	_ =	swait.ge [sflag:s28], $0x4000  }
0x8f: {  	[sflag:s28] =	ssyncset.done $0x0  }
.Ltmp0:
0x90: {  	[sflag:s28] =	ssyncadd.s32 $0xFFFFC000;
	(pc) =	sbr.rel @p0 .LBB2_2-.Ltmp0, $4  }
0x91: {  	[hbm4b:s8+s3] =	stream.linear.scatter [tilespmem:s29], [sflag:$0xA], $0x4000, $0x38;
	[tilespmem:$0x1A400] =	vst v63  }
0x92: {  	_ =	swait.ge [sflag:s1], $0x4000  }
0x93: {  	[sflag:s1] =	ssyncset.done $0x0  }
0x94: {  	s9 =	sadd.s32 $0x600, s9;
	s8 =	sadd.s32 $0x2800, s8;
	[sflag:s1] =	ssyncadd.s32 $0xFFFFC000  }
0x95: {  	[tilespmem:s22], [sflag:$0x3] =	stream.indirect.gather [hbm4b:s2+s18], $0x80, s9, s18, $0xb8;
	[tilespmem:$0x1A400] =	vst v63  }
0x96: {  	_ =	swait.ge [sflag:s23], $0x4000  }
0x97: {  	[sflag:s23] =	ssyncset.done $0x0  }
0x98: {  	s7 =	rddreg [dreg:$0x9];
	[sflag:s23] =	ssyncadd.s32 $0xFFFFC000  }
0x99: {  	[hbm4b:s7+s3] =	stream.linear.scatter [tilespmem:s19], [sflag:$0x6], $0x4000, $0x38;
	[tilespmem:$0x1A400] =	vst v63  }
0x9a: {  	_ =	swait.ge [sflag:s24], $0x4000  }
0x9b: {  	[sflag:s24] =	ssyncset.done $0x0  }
0x9c: {  	s9 =	simm.s32 $0x6300;
	[sflag:s24] =	ssyncadd.s32 $0xFFFFC000  }
0x9d: {  	[tilespmem:s25], [sflag:$0x4] =	stream.indirect.gather [hbm4b:s2+s18], $0x80, s9, s18, $0xb8;
	[tilespmem:$0x1A400] =	vst v63  }
0x9e: {  	_ =	swait.ge [sflag:s26], $0x4000  }
0x9f: {  	[sflag:s26] =	ssyncset.done $0x0  }
0xa0: {  	[sflag:s26] =	ssyncadd.s32 $0xFFFFC000  }
0xa1: {  	[hbm4b:s11+s3] =	stream.linear.scatter [tilespmem:s20], [sflag:$0x7], $0x4000, $0x38;
	[tilespmem:$0x1A400] =	vst v63  }
0xa2: {  	_ =	swait.ge [sflag:s5], $0x4000  }
0xa3: {  	[sflag:s5] =	ssyncset.done $0x0  }
0xa4: {  	s10 =	simm.s32 $0x6380;
	[sflag:s5] =	ssyncadd.s32 $0xFFFFC000  }
0xa5: {  	[tilespmem:s29], [sflag:$0x5] =	stream.indirect.gather [hbm4b:s2+s18], $0x80, s10, s18, $0xb8;
	[tilespmem:$0x1A400] =	vst v63  }
0xa6: {  	_ =	swait.ge [sflag:s30], $0x4000  }
0xa7: {  	[sflag:s30] =	ssyncset.done $0x0  }
0xa8: {  	[sflag:s30] =	ssyncadd.s32 $0xFFFFC000  }
0xa9: {  	[hbm4b:s12+s3] =	stream.linear.scatter [tilespmem:s22], [sflag:$0x8], $0x4000, $0x38;
	[tilespmem:$0x1A400] =	vst v63  }
0xaa: {  	_ =	swait.ge [sflag:s0], $0x4000  }
0xab: {  	[sflag:s0] =	ssyncset.done $0x0  }
0xac: {  	[sflag:s0] =	ssyncadd.s32 $0xFFFFC000  }
0xad: {  	[hbm4b:s13+s3] =	stream.linear.scatter [tilespmem:s25], [sflag:$0x9], $0x4000, $0x38;
	[tilespmem:$0x1A400] =	vst v63  }
0xae: {  	_ =	swait.ge [sflag:s28], $0x4000  }
0xaf: {  	[sflag:s28] =	ssyncset.done $0x0  }
0xb0: {  	[sflag:s28] =	ssyncadd.s32 $0xFFFFC000  }
0xb1: {  	[hbm4b:s14+s3] =	stream.linear.scatter [tilespmem:s29], [sflag:$0xA], $0x4000, $0x38;
	[tilespmem:$0x1A400] =	vst v63  }
0xb2: {  	_ =	swait.ge [sflag:s31], $0x4000  }
0xb3: {  	[sflag:s31] =	ssyncset.done $0x0  }
0xb4: {  	[sflag:s31] =	ssyncadd.s32 $0xFFFFC000  }
0xb5: {  	_ =	swait.ge [sflag:s21], $0x4000  }
0xb6: {  	[sflag:s21] =	ssyncset.done $0x0  }
0xb7: {  	[sflag:s21] =	ssyncadd.s32 $0xFFFFC000  }
0xb8: {  	_ =	swait.ge [sflag:s1], $0x4000  }
0xb9: {  	[sflag:s1] =	ssyncset.done $0x0  }
0xba: {  	s6 =	sadd.s32 $0x1, s6;
	[sflag:s1] =	ssyncadd.s32 $0xFFFFC000  }
0xbb: {  	p0 =	sne.s32 s6, s15;
	_ =	swait.ge [sflag:s24], $0x4000  }
.Ltmp1:
0xbc: {  	[sflag:s24] =	ssyncset.done $0x0;
	(pc) =	sbr.rel @p0 .LBB2_1-.Ltmp1, $4  }
0xbd: {  	[sflag:s24] =	ssyncadd.s32 $0xFFFFC000  }
0xbe: {  	_ =	swait.ge [sflag:s5], $0x4000  }
0xbf: {  	[sflag:s5] =	ssyncset.done $0x0  }
0xc0: {  	[sflag:s5] =	ssyncadd.s32 $0xFFFFC000  }
0xc1: {  	_ =	sfence.sel $0x180000  }
0xc2: {  	[bflag:$0x0] =	sbarrier.arrive $0xFFFF  }
0xc3: {  	_ =	strace $0x90000047  }
0xc4: {  	s0 =	stileid.u32;
	[bflag:$0x2] =	sbarrier.arrive $0xFFFF  }
0xc5: {  	p0 =	sne.s32 s0, $0x0;
	s0 =	rddreg [dreg:$0x3]  }
0xc6: {  	s0 =	sadd.s32 @!p0 $0x100000, s0  }
0xc7: {  	[sflag:s0] =	ssyncadd.tile.s32 @!p0 $0x1;
	_ =	shalt  }
.Lfunc_end2:
_tile_overlayer_lowered:
.L_overlay_start_2:
0xc8: {  	(tag) =	ssettag $0x2  }
0xc9: {  	s0 =	rddreg [dreg:$0x0];
	s2 =	stileid.u32  }
0xca: {  	s1 =	rddreg [dreg:$0x1];
	p0 =	sne.s32 s2, $0x0  }
0xcb: {  	s3 =	rddreg [dreg:$0x2];
	[bflag:$0x3] =	sbarrier.arrive $0xFFFF;
	s2 =	simm.s32 @!p0 $0x1C0B  }
0xcc: {  	[timem:s3], [sflag:s2] =	dma.local @!p0 [hbm:s0], s1  }
0xcd: {  	s0 =	simm.s32 @!p0 $0xB  }
0xce: {  	_ =	swait.ge @!p0 [sflag:s0], s1  }
0xcf: {  	s1 =	ssub.s32 @!p0 $0x0, s1;
	[sflag:s0] =	ssyncset.done @!p0 $0x0  }
0xd0: {  	[sflag:s0] =	ssyncadd.s32 @!p0 s1  }
0xd1: {  	[bflag:$0x3] =	sbarrier.arrive $0xFFFF  }
0xd2: {  	_ =	shalt  }

</sc_bundles>
